<compile_context>
chip_gen: v7x
topology: tpu7x:2x2x1
jax: 0.10.2.dev20260603
libtpu: 0.0.44.dev20260713+nightly
codegen_flags: <defaults>
</compile_context>

<pallas_src>
import functools

import jax
import jax.numpy as jnp
from jax import lax
from jax.experimental import pallas as pl
from jax.experimental.pallas import tpu as pltpu
from jax.experimental.pallas import tpu_sc as plsc

N = 10000
E = 320000
D = 128

NC = 2
NS = 16
NW = NC * NS
EPW = E // NW
CH = 128
NFULL = EPW // CH
TAIL = EPW - NFULL * CH
ZR = 640
ZL = N - 15 * ZR
DPAD = 10240
DSTRIPE = DPAD // NS

BLK = 1000
GRID = N // BLK


def _sc_mesh():
    return plsc.VectorSubcoreMesh(core_axis_name="c", subcore_axis_name="s")


@functools.partial(
    pl.kernel,
    mesh=_sc_mesh(),
    out_type=[jax.ShapeDtypeStruct((DPAD,), jnp.float32),
              jax.ShapeDtypeStruct((DPAD,), jnp.float32)],
    scratch_types=[
        pltpu.VMEM((CH,), jnp.int32),
        pltpu.VMEM((TAIL,), jnp.int32),
        pltpu.VMEM((CH,), jnp.float32),
        pltpu.VMEM((TAIL,), jnp.float32),
        pltpu.VMEM_SHARED((DPAD,), jnp.float32),
    ],
)
def _deg_kernel(dst_hbm, ones_hbm, zeros_hbm, out0_hbm, out1_hbm,
                idx_v, idxt_v, ones_v, onest_v, deg_sh):
    c = lax.axis_index("c")
    s = lax.axis_index("s")
    base = (s * NC + c) * EPW
    pltpu.sync_copy(ones_hbm.at[pl.ds(0, CH)], ones_v)
    pltpu.sync_copy(ones_hbm.at[pl.ds(0, TAIL)], onest_v)
    pltpu.sync_copy(zeros_hbm, deg_sh.at[pl.ds(s * DSTRIPE, DSTRIPE)])
    plsc.subcore_barrier()

    def body(k, carry):
        pltpu.sync_copy(dst_hbm.at[pl.ds(base + k * CH, CH)], idx_v)
        pltpu.sync_copy(ones_v, deg_sh.at[idx_v], add=True)
        return carry

    lax.fori_loop(0, NFULL, body, 0)
    pltpu.sync_copy(dst_hbm.at[pl.ds(base + NFULL * CH, TAIL)], idxt_v)
    pltpu.sync_copy(onest_v, deg_sh.at[idxt_v], add=True)
    plsc.subcore_barrier()

    @pl.when(c == 0)
    def _():
        pltpu.sync_copy(deg_sh.at[pl.ds(s * DSTRIPE, DSTRIPE)],
                        out0_hbm.at[pl.ds(s * DSTRIPE, DSTRIPE)])

    @pl.when(c == 1)
    def _():
        pltpu.sync_copy(deg_sh.at[pl.ds(s * DSTRIPE, DSTRIPE)],
                        out1_hbm.at[pl.ds(s * DSTRIPE, DSTRIPE)])


@functools.partial(
    pl.kernel,
    mesh=_sc_mesh(),
    out_type=[jax.ShapeDtypeStruct((N, D), jnp.float32),
              jax.ShapeDtypeStruct((N, D), jnp.float32)],
    scratch_types=[
        pltpu.VMEM((CH,), jnp.int32),
        pltpu.VMEM((CH,), jnp.int32),
        pltpu.VMEM((TAIL,), jnp.int32),
        pltpu.VMEM((TAIL,), jnp.int32),
        pltpu.VMEM((CH, D), jnp.float32),
        pltpu.VMEM((TAIL, D), jnp.float32),
        pltpu.VMEM_SHARED((N, D), jnp.float32),
        pltpu.SemaphoreType.DMA,
    ],
)
def _spmm_kernel(g_hbm, src_hbm, dst_hbm, zeros_hbm, out0_hbm, out1_hbm,
                 src_v, dst_v, srct_v, dstt_v, rows_v, rowst_v, acc_sh, sem):
    c = lax.axis_index("c")
    s = lax.axis_index("s")
    base = (s * NC + c) * EPW

    @pl.when(s < 15)
    def _():
        pltpu.sync_copy(zeros_hbm.at[pl.ds(0, ZR)], acc_sh.at[pl.ds(s * ZR, ZR)])

    @pl.when(s == 15)
    def _():
        pltpu.sync_copy(zeros_hbm.at[pl.ds(0, ZL)], acc_sh.at[pl.ds(15 * ZR, ZL)])

    plsc.subcore_barrier()

    def body(k, carry):
        off = base + k * CH
        pltpu.sync_copy(src_hbm.at[pl.ds(off, CH)], src_v)
        pltpu.sync_copy(dst_hbm.at[pl.ds(off, CH)], dst_v)
        pltpu.async_copy(g_hbm.at[src_v], rows_v, sem).wait()
        pltpu.sync_copy(rows_v, acc_sh.at[dst_v], add=True)
        return carry

    lax.fori_loop(0, NFULL, body, 0)
    offt = base + NFULL * CH
    pltpu.sync_copy(src_hbm.at[pl.ds(offt, TAIL)], srct_v)
    pltpu.sync_copy(dst_hbm.at[pl.ds(offt, TAIL)], dstt_v)
    pltpu.async_copy(g_hbm.at[srct_v], rowst_v, sem).wait()
    pltpu.sync_copy(rowst_v, acc_sh.at[dstt_v], add=True)
    plsc.subcore_barrier()

    @pl.when(jnp.logical_and(c == 0, s < 15))
    def _():
        pltpu.sync_copy(acc_sh.at[pl.ds(s * ZR, ZR)], out0_hbm.at[pl.ds(s * ZR, ZR)])

    @pl.when(jnp.logical_and(c == 0, s == 15))
    def _():
        pltpu.sync_copy(acc_sh.at[pl.ds(15 * ZR, ZL)], out0_hbm.at[pl.ds(15 * ZR, ZL)])

    @pl.when(jnp.logical_and(c == 1, s < 15))
    def _():
        pltpu.sync_copy(acc_sh.at[pl.ds(s * ZR, ZR)], out1_hbm.at[pl.ds(s * ZR, ZR)])

    @pl.when(jnp.logical_and(c == 1, s == 15))
    def _():
        pltpu.sync_copy(acc_sh.at[pl.ds(15 * ZR, ZL)], out1_hbm.at[pl.ds(15 * ZR, ZL)])


def _dinv_block(d0_ref, d1_ref):
    return lax.rsqrt(d0_ref[...] + d1_ref[...] + 1.0)


def _mm_scale_body(d0_ref, d1_ref, x_ref, w_ref, out_ref):
    dinv = _dinv_block(d0_ref, d1_ref)
    out_ref[...] = jnp.dot(x_ref[...], w_ref[...],
                           preferred_element_type=jnp.float32) * dinv


_mm_scale = pl.pallas_call(
    _mm_scale_body,
    grid=(GRID,),
    in_specs=[
        pl.BlockSpec((BLK, 1), lambda i: (i, 0)),
        pl.BlockSpec((BLK, 1), lambda i: (i, 0)),
        pl.BlockSpec((BLK, D), lambda i: (i, 0)),
        pl.BlockSpec((D, D), lambda i: (0, 0)),
    ],
    out_specs=pl.BlockSpec((BLK, D), lambda i: (i, 0)),
    out_shape=jax.ShapeDtypeStruct((N, D), jnp.float32),
)


def _layer2_body(d0_ref, d1_ref, a0_ref, a1_ref, g1_ref, be_ref, w_ref, out_ref):
    dinv = _dinv_block(d0_ref, d1_ref)
    e = dinv * (a0_ref[...] + a1_ref[...] + g1_ref[...]) + be_ref[...]
    out_ref[...] = jnp.dot(e, w_ref[...],
                           preferred_element_type=jnp.float32) * dinv


_layer2 = pl.pallas_call(
    _layer2_body,
    grid=(GRID,),
    in_specs=[
        pl.BlockSpec((BLK, 1), lambda i: (i, 0)),
        pl.BlockSpec((BLK, 1), lambda i: (i, 0)),
        pl.BlockSpec((BLK, D), lambda i: (i, 0)),
        pl.BlockSpec((BLK, D), lambda i: (i, 0)),
        pl.BlockSpec((BLK, D), lambda i: (i, 0)),
        pl.BlockSpec((D,), lambda i: (0,)),
        pl.BlockSpec((D, D), lambda i: (0, 0)),
    ],
    out_specs=pl.BlockSpec((BLK, D), lambda i: (i, 0)),
    out_shape=jax.ShapeDtypeStruct((N, D), jnp.float32),
)


def _final_body(d0_ref, d1_ref, a0_ref, a1_ref, g2_ref, bd_ref, out_ref):
    dinv = _dinv_block(d0_ref, d1_ref)
    out_ref[...] = dinv * (a0_ref[...] + a1_ref[...] + g2_ref[...]) + bd_ref[...]


_final = pl.pallas_call(
    _final_body,
    grid=(GRID,),
    in_specs=[
        pl.BlockSpec((BLK, 1), lambda i: (i, 0)),
        pl.BlockSpec((BLK, 1), lambda i: (i, 0)),
        pl.BlockSpec((BLK, D), lambda i: (i, 0)),
        pl.BlockSpec((BLK, D), lambda i: (i, 0)),
        pl.BlockSpec((BLK, D), lambda i: (i, 0)),
        pl.BlockSpec((D,), lambda i: (0,)),
    ],
    out_specs=pl.BlockSpec((BLK, D), lambda i: (i, 0)),
    out_shape=jax.ShapeDtypeStruct((N, D), jnp.float32),
)


def kernel(x, edge_index, W_enc, b_enc, W_dec, b_dec):
    ei = edge_index.astype(jnp.int32)
    src = ei[0]
    dst = ei[1]
    ones = jnp.ones((CH,), jnp.float32)
    zeros1 = jnp.zeros((DSTRIPE,), jnp.float32)
    zeros2 = jnp.zeros((ZR, D), jnp.float32)

    deg0, deg1 = _deg_kernel(dst, ones, zeros1)
    d0 = deg0.reshape(DPAD, 1)
    d1 = deg1.reshape(DPAD, 1)
    g1 = _mm_scale(d0, d1, x, W_enc)
    a10, a11 = _spmm_kernel(g1, src, dst, zeros2)
    g2 = _layer2(d0, d1, a10, a11, g1, b_enc, W_dec)
    a20, a21 = _spmm_kernel(g2, src, dst, zeros2)
    return _final(d0, d1, a20, a21, g2, b_dec)

# --- scband reference (transcript-rebuilt; emitter-appended) ---
"""Pipeline reference for scband-graph-encdec-5549097746902 (READ-ONLY COPY).

The authoritative reference and input builder live on the scoring server;
editing this copy changes nothing except your own understanding.
"""

import jax, jax.numpy as jnp
import numpy as np

N_NODES = 10000
N_EDGES = 320000
D_IN = 128
D_HID = 128
D_OUT = 128


def setup_inputs(seed: int = 0) -> dict:
    key = jax.random.key(seed)
    k1, k2, k3, k4, k5, k6 = jax.random.split(key, 6)
    x = jax.random.normal(k1, (N_NODES, D_IN), dtype=jnp.float32)
    edge_index = jax.random.randint(k2, (2, N_EDGES), 0, N_NODES, dtype=jnp.int64)
    # GCNConv parameters: encoder GCNConv(enc_out_emb_dim=128 -> 128) and decoder GCNConv(128 -> dec_inp_emb_dim=128)
    W_enc = jax.random.normal(k3, (D_IN, D_HID), dtype=jnp.float32) * (1.0 / np.sqrt(D_IN))
    b_enc = jnp.zeros((D_HID,), dtype=jnp.float32)
    W_dec = jax.random.normal(k4, (D_HID, D_OUT), dtype=jnp.float32) * (1.0 / np.sqrt(D_HID))
    b_dec = jnp.zeros((D_OUT,), dtype=jnp.float32)
    return {"x": x, "edge_index": edge_index, "W_enc": W_enc, "b_enc": b_enc, "W_dec": W_dec, "b_dec": b_dec}


def _gcn_conv(x, src, dst, W, b, n_nodes):
    # GCNConv with self-loops and symmetric normalization (PyG semantics)
    loop = jnp.arange(n_nodes, dtype=src.dtype)
    src2 = jnp.concatenate([src, loop])
    dst2 = jnp.concatenate([dst, loop])
    deg = jnp.zeros((n_nodes,), dtype=x.dtype).at[dst2].add(1.0)
    dinv = jnp.where(deg > 0, jax.lax.rsqrt(jnp.maximum(deg, 1e-12)), 0.0)
    norm = dinv[src2] * dinv[dst2]
    h = x @ W
    msg = jnp.take(h, src2, axis=0) * norm[:, None]
    out = jax.ops.segment_sum(msg, dst2, num_segments=n_nodes)
    return out + b


def reference(x, edge_index, W_enc, b_enc, W_dec, b_dec):
    src = edge_index[0]
    dst = edge_index[1]
    encoded = _gcn_conv(x, src, dst, W_enc, b_enc, N_NODES)
    decoded = _gcn_conv(encoded, src, dst, W_dec, b_dec, N_NODES)
    return decoded

if __name__ == "__main__":
    import jax
    _d = setup_inputs()
    print(jax.jit(kernel)(*tuple(_d.values())))

</pallas_src>

<mosaic_0001>
#map = affine_map<(d0, d1) -> (0, 0)>
#map1 = affine_map<(d0, d1) -> (0)>
module attributes {stable_mosaic.version = 14 : i64} {
  func.func @_spmm_kernel(%arg0: i32, %arg1: i32, %arg2: memref<10000x128xf32, #tpu.memory_space<hbm>>, %arg3: memref<320000xi32, #tpu.memory_space<hbm>>, %arg4: memref<320000xi32, #tpu.memory_space<hbm>>, %arg5: memref<640x128xf32, #tpu.memory_space<hbm>>, %arg6: memref<10000x128xf32, #tpu.memory_space<hbm>>, %arg7: memref<10000x128xf32, #tpu.memory_space<hbm>>, %arg8: memref<128xi32, #tpu.memory_space<vmem>>, %arg9: memref<128xi32, #tpu.memory_space<vmem>>, %arg10: memref<16xi32, #tpu.memory_space<vmem>>, %arg11: memref<16xi32, #tpu.memory_space<vmem>>, %arg12: memref<128x128xf32, #tpu.memory_space<vmem>>, %arg13: memref<16x128xf32, #tpu.memory_space<vmem>>, %arg14: memref<10000x128xf32, #tpu.memory_space<vmem_shared>>, %arg15: memref<!tpu.dma_semaphore, #tpu.memory_space<semaphore_mem>>) attributes {dimension_semantics = [#tpu.dimension_semantics<core_parallel>, #tpu.dimension_semantics<subcore_parallel>], iteration_bounds = array<i64: 2, 16>, scalar_prefetch = 0 : i64, scratch_operands = 8 : i64, tpu.core_type = #tpu.core_type<sc_vector_subcore>, window_params = [{transform_indices = #map}, {transform_indices = #map1}, {transform_indices = #map1}, {transform_indices = #map}, {transform_indices = #map}, {transform_indices = #map}]} {
    %mul3A = arith.constant 2 : i32
    %mul3A_0 = arith.muli %arg1, %mul3A : i32
    %add3A = arith.addi %mul3A_0, %arg0 : i32
    %mul3A_1 = arith.constant 10000 : i32
    %mul3A_2 = arith.muli %add3A, %mul3A_1 : i32
    %lt3A = arith.constant 15 : i32
    %lt3A_3 = arith.cmpi slt, %arg1, %lt3A : i32
    %convert_element_type3A = arith.extui %lt3A_3 : i1 to i32
    %cond3A = arith.constant 0 : i32
    %cond3A_4 = arith.cmpi ne, %convert_element_type3A, %cond3A : i32
    scf.if %cond3A_4 {
      %mul3A_52 = arith.constant 640 : i32
      %mul3A_53 = arith.muli %arg1, %mul3A_52 : i32
      "tpu.region"() ({
        %run_scoped3A = tpu.sem_alloc : memref<!tpu.dma_semaphore, #tpu.memory_space<semaphore_mem>>
        %dma_start3A_54 = arith.constant 0 : i32
        %dma_start3A_55 = tpu.memref_slice %arg14[%mul3A_53, %dma_start3A_54] : memref<10000x128xf32, #tpu.memory_space<vmem_shared>> -> memref<640x128xf32, #tpu.memory_space<vmem_shared>>
        %dma_start3A_56 = arith.constant 0 : i32
        %dma_start3A_57 = arith.constant 0 : i32
        %dma_start3A_58 = tpu.memref_slice %arg5[%dma_start3A_56, %dma_start3A_57] : memref<640x128xf32, #tpu.memory_space<hbm>> -> memref<640x128xf32, #tpu.memory_space<hbm>>
        tpu.enqueue_dma source(%dma_start3A_58 : memref<640x128xf32, #tpu.memory_space<hbm>>) target(%dma_start3A_55 : memref<640x128xf32, #tpu.memory_space<vmem_shared>>) target_semaphore(%run_scoped3A : memref<!tpu.dma_semaphore, #tpu.memory_space<semaphore_mem>>)
        %dma_wait3A_59 = arith.constant 0 : i32
        %dma_wait3A_60 = tpu.memref_slice %arg14[%mul3A_53, %dma_wait3A_59] : memref<10000x128xf32, #tpu.memory_space<vmem_shared>> -> memref<640x128xf32, #tpu.memory_space<vmem_shared>>
        %dma_wait3A_61 = arith.constant 0 : i32
        %dma_wait3A_62 = arith.constant 0 : i32
        %dma_wait3A_63 = tpu.memref_slice %arg5[%dma_wait3A_61, %dma_wait3A_62] : memref<640x128xf32, #tpu.memory_space<hbm>> -> memref<640x128xf32, #tpu.memory_space<hbm>>
        tpu.wait_dma2 semaphore(%run_scoped3A : memref<!tpu.dma_semaphore, #tpu.memory_space<semaphore_mem>>) src(%dma_wait3A_63 : memref<640x128xf32, #tpu.memory_space<hbm>>) dst(%dma_wait3A_60 : memref<640x128xf32, #tpu.memory_space<vmem_shared>>)
        tpu.yield
      }) : () -> ()
    } else {
    }
    %eq3A = arith.constant 15 : i32
    %eq3A_5 = arith.cmpi eq, %arg1, %eq3A : i32
    %convert_element_type3A_6 = arith.extui %eq3A_5 : i1 to i32
    %cond3A_7 = arith.constant 0 : i32
    %cond3A_8 = arith.cmpi ne, %convert_element_type3A_6, %cond3A_7 : i32
    scf.if %cond3A_8 {
      "tpu.region"() ({
        %run_scoped3A = tpu.sem_alloc : memref<!tpu.dma_semaphore, #tpu.memory_space<semaphore_mem>>
        %dma_start3A_52 = arith.constant 9600 : i32
        %dma_start3A_53 = arith.constant 0 : i32
        %dma_start3A_54 = tpu.memref_slice %arg14[%dma_start3A_52, %dma_start3A_53] : memref<10000x128xf32, #tpu.memory_space<vmem_shared>> -> memref<400x128xf32, #tpu.memory_space<vmem_shared>>
        %dma_start3A_55 = arith.constant 0 : i32
        %dma_start3A_56 = arith.constant 0 : i32
        %dma_start3A_57 = tpu.memref_slice %arg5[%dma_start3A_55, %dma_start3A_56] : memref<640x128xf32, #tpu.memory_space<hbm>> -> memref<400x128xf32, #tpu.memory_space<hbm>>
        tpu.enqueue_dma source(%dma_start3A_57 : memref<400x128xf32, #tpu.memory_space<hbm>>) target(%dma_start3A_54 : memref<400x128xf32, #tpu.memory_space<vmem_shared>>) target_semaphore(%run_scoped3A : memref<!tpu.dma_semaphore, #tpu.memory_space<semaphore_mem>>)
        %dma_wait3A_58 = arith.constant 9600 : i32
        %dma_wait3A_59 = arith.constant 0 : i32
        %dma_wait3A_60 = tpu.memref_slice %arg14[%dma_wait3A_58, %dma_wait3A_59] : memref<10000x128xf32, #tpu.memory_space<vmem_shared>> -> memref<400x128xf32, #tpu.memory_space<vmem_shared>>
        %dma_wait3A_61 = arith.constant 0 : i32
        %dma_wait3A_62 = arith.constant 0 : i32
        %dma_wait3A_63 = tpu.memref_slice %arg5[%dma_wait3A_61, %dma_wait3A_62] : memref<640x128xf32, #tpu.memory_space<hbm>> -> memref<400x128xf32, #tpu.memory_space<hbm>>
        tpu.wait_dma2 semaphore(%run_scoped3A : memref<!tpu.dma_semaphore, #tpu.memory_space<semaphore_mem>>) src(%dma_wait3A_63 : memref<400x128xf32, #tpu.memory_space<hbm>>) dst(%dma_wait3A_60 : memref<400x128xf32, #tpu.memory_space<vmem_shared>>)
        tpu.yield
      }) : () -> ()
    } else {
    }
    %barrier3A = arith.constant 0 : index
    tpu.barrier barrier_id(%barrier3A)
    %scan3A = arith.constant 0 : i32
    %scan3A_9 = arith.constant 0 : i32
    %scan3A_10 = arith.constant 78 : i32
    %scan3A_11 = arith.addi %scan3A_9, %scan3A_10 : i32
    %scan3A_12 = arith.constant 1 : i32
    scf.for %scan3A_52 = %scan3A_9 to %scan3A_11 step %scan3A_12  : i32 {
      %mul3A_53 = arith.constant 128 : i32
      %mul3A_54 = arith.muli %scan3A_52, %mul3A_53 : i32
      %add3A_55 = arith.addi %mul3A_2, %mul3A_54 : i32
      "tpu.region"() ({
        %run_scoped3A = tpu.sem_alloc : memref<!tpu.dma_semaphore, #tpu.memory_space<semaphore_mem>>
        %dma_start3A_62 = tpu.memref_slice %arg3[%add3A_55] : memref<320000xi32, #tpu.memory_space<hbm>> -> memref<128xi32, #tpu.memory_space<hbm>>
        %dma_start3A_63 = tpu.memref_slice %arg3[%add3A_55] : memref<320000xi32, #tpu.memory_space<hbm>> -> memref<128xi32, #tpu.memory_space<hbm>>
        tpu.enqueue_dma source(%dma_start3A_63 : memref<128xi32, #tpu.memory_space<hbm>>) target(%arg8 : memref<128xi32, #tpu.memory_space<vmem>>) target_semaphore(%run_scoped3A : memref<!tpu.dma_semaphore, #tpu.memory_space<semaphore_mem>>)
        %dma_wait3A_64 = tpu.memref_slice %arg3[%add3A_55] : memref<320000xi32, #tpu.memory_space<hbm>> -> memref<128xi32, #tpu.memory_space<hbm>>
        %dma_wait3A_65 = tpu.memref_slice %arg3[%add3A_55] : memref<320000xi32, #tpu.memory_space<hbm>> -> memref<128xi32, #tpu.memory_space<hbm>>
        tpu.wait_dma2 semaphore(%run_scoped3A : memref<!tpu.dma_semaphore, #tpu.memory_space<semaphore_mem>>) src(%dma_wait3A_65 : memref<128xi32, #tpu.memory_space<hbm>>) dst(%arg8 : memref<128xi32, #tpu.memory_space<vmem>>)
        tpu.yield
      }) : () -> ()
      "tpu.region"() ({
        %run_scoped3A = tpu.sem_alloc : memref<!tpu.dma_semaphore, #tpu.memory_space<semaphore_mem>>
        %dma_start3A_62 = tpu.memref_slice %arg4[%add3A_55] : memref<320000xi32, #tpu.memory_space<hbm>> -> memref<128xi32, #tpu.memory_space<hbm>>
        %dma_start3A_63 = tpu.memref_slice %arg4[%add3A_55] : memref<320000xi32, #tpu.memory_space<hbm>> -> memref<128xi32, #tpu.memory_space<hbm>>
        tpu.enqueue_dma source(%dma_start3A_63 : memref<128xi32, #tpu.memory_space<hbm>>) target(%arg9 : memref<128xi32, #tpu.memory_space<vmem>>) target_semaphore(%run_scoped3A : memref<!tpu.dma_semaphore, #tpu.memory_space<semaphore_mem>>)
        %dma_wait3A_64 = tpu.memref_slice %arg4[%add3A_55] : memref<320000xi32, #tpu.memory_space<hbm>> -> memref<128xi32, #tpu.memory_space<hbm>>
        %dma_wait3A_65 = tpu.memref_slice %arg4[%add3A_55] : memref<320000xi32, #tpu.memory_space<hbm>> -> memref<128xi32, #tpu.memory_space<hbm>>
        tpu.wait_dma2 semaphore(%run_scoped3A : memref<!tpu.dma_semaphore, #tpu.memory_space<semaphore_mem>>) src(%dma_wait3A_65 : memref<128xi32, #tpu.memory_space<hbm>>) dst(%arg9 : memref<128xi32, #tpu.memory_space<vmem>>)
        tpu.yield
      }) : () -> ()
      %dma_start3A_56 = arith.constant 0 : i32
      %dma_start3A_57 = arith.constant 0 : i32
      %dma_start3A_58 = tpu.memref_slice %arg2[%dma_start3A_56, %dma_start3A_57] : memref<10000x128xf32, #tpu.memory_space<hbm>> -> memref<10000x128xf32, #tpu.memory_space<hbm>>
      tpu.enqueue_indirect_dma source(%dma_start3A_58 : memref<10000x128xf32, #tpu.memory_space<hbm>>) target(%arg12 : memref<128x128xf32, #tpu.memory_space<vmem>>) offsets(%arg8 : memref<128xi32, #tpu.memory_space<vmem>>) semaphore(%arg15 : memref<!tpu.dma_semaphore, #tpu.memory_space<semaphore_mem>>)
      %dma_wait3A_59 = arith.constant 0 : i32
      %dma_wait3A_60 = arith.constant 0 : i32
      %dma_wait3A_61 = tpu.memref_slice %arg2[%dma_wait3A_59, %dma_wait3A_60] : memref<10000x128xf32, #tpu.memory_space<hbm>> -> memref<10000x128xf32, #tpu.memory_space<hbm>>
      tpu.wait_indirect_dma semaphore(%arg15 : memref<!tpu.dma_semaphore, #tpu.memory_space<semaphore_mem>>) src(%dma_wait3A_61 : memref<10000x128xf32, #tpu.memory_space<hbm>>) dst(%arg12 : memref<128x128xf32, #tpu.memory_space<vmem>>)
      "tpu.region"() ({
        %run_scoped3A = tpu.sem_alloc : memref<!tpu.dma_semaphore, #tpu.memory_space<semaphore_mem>>
        %dma_start3A_62 = arith.constant 0 : i32
        %dma_start3A_63 = arith.constant 0 : i32
        %dma_start3A_64 = tpu.memref_slice %arg14[%dma_start3A_62, %dma_start3A_63] : memref<10000x128xf32, #tpu.memory_space<vmem_shared>> -> memref<10000x128xf32, #tpu.memory_space<vmem_shared>>
        tpu.enqueue_indirect_dma source(%arg12 : memref<128x128xf32, #tpu.memory_space<vmem>>) target(%dma_start3A_64 : memref<10000x128xf32, #tpu.memory_space<vmem_shared>>) offsets(%arg9 : memref<128xi32, #tpu.memory_space<vmem>>) semaphore(%run_scoped3A : memref<!tpu.dma_semaphore, #tpu.memory_space<semaphore_mem>>) {add = true}
        %dma_wait3A_65 = arith.constant 0 : i32
        %dma_wait3A_66 = arith.constant 0 : i32
        %dma_wait3A_67 = tpu.memref_slice %arg14[%dma_wait3A_65, %dma_wait3A_66] : memref<10000x128xf32, #tpu.memory_space<vmem_shared>> -> memref<10000x128xf32, #tpu.memory_space<vmem_shared>>
        tpu.wait_indirect_dma semaphore(%run_scoped3A : memref<!tpu.dma_semaphore, #tpu.memory_space<semaphore_mem>>) src(%arg12 : memref<128x128xf32, #tpu.memory_space<vmem>>) dst(%dma_wait3A_67 : memref<10000x128xf32, #tpu.memory_space<vmem_shared>>)
        tpu.yield
      }) : () -> ()
    }
    %scan3A_13 = arith.constant 78 : i32
    %add3A_14 = arith.constant 9984 : i32
    %add3A_15 = arith.addi %mul3A_2, %add3A_14 : i32
    "tpu.region"() ({
      %run_scoped3A = tpu.sem_alloc : memref<!tpu.dma_semaphore, #tpu.memory_space<semaphore_mem>>
      %dma_start3A_52 = tpu.memref_slice %arg3[%add3A_15] : memref<320000xi32, #tpu.memory_space<hbm>> -> memref<16xi32, #tpu.memory_space<hbm>>
      %dma_start3A_53 = tpu.memref_slice %arg3[%add3A_15] : memref<320000xi32, #tpu.memory_space<hbm>> -> memref<16xi32, #tpu.memory_space<hbm>>
      tpu.enqueue_dma source(%dma_start3A_53 : memref<16xi32, #tpu.memory_space<hbm>>) target(%arg10 : memref<16xi32, #tpu.memory_space<vmem>>) target_semaphore(%run_scoped3A : memref<!tpu.dma_semaphore, #tpu.memory_space<semaphore_mem>>)
      %dma_wait3A_54 = tpu.memref_slice %arg3[%add3A_15] : memref<320000xi32, #tpu.memory_space<hbm>> -> memref<16xi32, #tpu.memory_space<hbm>>
      %dma_wait3A_55 = tpu.memref_slice %arg3[%add3A_15] : memref<320000xi32, #tpu.memory_space<hbm>> -> memref<16xi32, #tpu.memory_space<hbm>>
      tpu.wait_dma2 semaphore(%run_scoped3A : memref<!tpu.dma_semaphore, #tpu.memory_space<semaphore_mem>>) src(%dma_wait3A_55 : memref<16xi32, #tpu.memory_space<hbm>>) dst(%arg10 : memref<16xi32, #tpu.memory_space<vmem>>)
      tpu.yield
    }) : () -> ()
    "tpu.region"() ({
      %run_scoped3A = tpu.sem_alloc : memref<!tpu.dma_semaphore, #tpu.memory_space<semaphore_mem>>
      %dma_start3A_52 = tpu.memref_slice %arg4[%add3A_15] : memref<320000xi32, #tpu.memory_space<hbm>> -> memref<16xi32, #tpu.memory_space<hbm>>
      %dma_start3A_53 = tpu.memref_slice %arg4[%add3A_15] : memref<320000xi32, #tpu.memory_space<hbm>> -> memref<16xi32, #tpu.memory_space<hbm>>
      tpu.enqueue_dma source(%dma_start3A_53 : memref<16xi32, #tpu.memory_space<hbm>>) target(%arg11 : memref<16xi32, #tpu.memory_space<vmem>>) target_semaphore(%run_scoped3A : memref<!tpu.dma_semaphore, #tpu.memory_space<semaphore_mem>>)
      %dma_wait3A_54 = tpu.memref_slice %arg4[%add3A_15] : memref<320000xi32, #tpu.memory_space<hbm>> -> memref<16xi32, #tpu.memory_space<hbm>>
      %dma_wait3A_55 = tpu.memref_slice %arg4[%add3A_15] : memref<320000xi32, #tpu.memory_space<hbm>> -> memref<16xi32, #tpu.memory_space<hbm>>
      tpu.wait_dma2 semaphore(%run_scoped3A : memref<!tpu.dma_semaphore, #tpu.memory_space<semaphore_mem>>) src(%dma_wait3A_55 : memref<16xi32, #tpu.memory_space<hbm>>) dst(%arg11 : memref<16xi32, #tpu.memory_space<vmem>>)
      tpu.yield
    }) : () -> ()
    %dma_start3A = arith.constant 0 : i32
    %dma_start3A_16 = arith.constant 0 : i32
    %dma_start3A_17 = tpu.memref_slice %arg2[%dma_start3A, %dma_start3A_16] : memref<10000x128xf32, #tpu.memory_space<hbm>> -> memref<10000x128xf32, #tpu.memory_space<hbm>>
    tpu.enqueue_indirect_dma source(%dma_start3A_17 : memref<10000x128xf32, #tpu.memory_space<hbm>>) target(%arg13 : memref<16x128xf32, #tpu.memory_space<vmem>>) offsets(%arg10 : memref<16xi32, #tpu.memory_space<vmem>>) semaphore(%arg15 : memref<!tpu.dma_semaphore, #tpu.memory_space<semaphore_mem>>)
    %dma_wait3A = arith.constant 0 : i32
    %dma_wait3A_18 = arith.constant 0 : i32
    %dma_wait3A_19 = tpu.memref_slice %arg2[%dma_wait3A, %dma_wait3A_18] : memref<10000x128xf32, #tpu.memory_space<hbm>> -> memref<10000x128xf32, #tpu.memory_space<hbm>>
    tpu.wait_indirect_dma semaphore(%arg15 : memref<!tpu.dma_semaphore, #tpu.memory_space<semaphore_mem>>) src(%dma_wait3A_19 : memref<10000x128xf32, #tpu.memory_space<hbm>>) dst(%arg13 : memref<16x128xf32, #tpu.memory_space<vmem>>)
    "tpu.region"() ({
      %run_scoped3A = tpu.sem_alloc : memref<!tpu.dma_semaphore, #tpu.memory_space<semaphore_mem>>
      %dma_start3A_52 = arith.constant 0 : i32
      %dma_start3A_53 = arith.constant 0 : i32
      %dma_start3A_54 = tpu.memref_slice %arg14[%dma_start3A_52, %dma_start3A_53] : memref<10000x128xf32, #tpu.memory_space<vmem_shared>> -> memref<10000x128xf32, #tpu.memory_space<vmem_shared>>
      tpu.enqueue_indirect_dma source(%arg13 : memref<16x128xf32, #tpu.memory_space<vmem>>) target(%dma_start3A_54 : memref<10000x128xf32, #tpu.memory_space<vmem_shared>>) offsets(%arg11 : memref<16xi32, #tpu.memory_space<vmem>>) semaphore(%run_scoped3A : memref<!tpu.dma_semaphore, #tpu.memory_space<semaphore_mem>>) {add = true}
      %dma_wait3A_55 = arith.constant 0 : i32
      %dma_wait3A_56 = arith.constant 0 : i32
      %dma_wait3A_57 = tpu.memref_slice %arg14[%dma_wait3A_55, %dma_wait3A_56] : memref<10000x128xf32, #tpu.memory_space<vmem_shared>> -> memref<10000x128xf32, #tpu.memory_space<vmem_shared>>
      tpu.wait_indirect_dma semaphore(%run_scoped3A : memref<!tpu.dma_semaphore, #tpu.memory_space<semaphore_mem>>) src(%arg13 : memref<16x128xf32, #tpu.memory_space<vmem>>) dst(%dma_wait3A_57 : memref<10000x128xf32, #tpu.memory_space<vmem_shared>>)
      tpu.yield
    }) : () -> ()
    %barrier3A_20 = arith.constant 0 : index
    tpu.barrier barrier_id(%barrier3A_20)
    %eq3A_21 = arith.constant 0 : i32
    %eq3A_22 = arith.cmpi eq, %arg0, %eq3A_21 : i32
    %lt3A_23 = arith.constant 15 : i32
    %lt3A_24 = arith.cmpi slt, %arg1, %lt3A_23 : i32
    %and3A = arith.andi %eq3A_22, %lt3A_24 : i1
    %convert_element_type3A_25 = arith.extui %and3A : i1 to i32
    %cond3A_26 = arith.constant 0 : i32
    %cond3A_27 = arith.cmpi ne, %convert_element_type3A_25, %cond3A_26 : i32
    scf.if %cond3A_27 {
      %mul3A_52 = arith.constant 640 : i32
      %mul3A_53 = arith.muli %arg1, %mul3A_52 : i32
      %mul3A_54 = arith.constant 640 : i32
      %mul3A_55 = arith.muli %arg1, %mul3A_54 : i32
      "tpu.region"() ({
        %run_scoped3A = tpu.sem_alloc : memref<!tpu.dma_semaphore, #tpu.memory_space<semaphore_mem>>
        %dma_start3A_56 = arith.constant 0 : i32
        %dma_start3A_57 = tpu.memref_slice %arg6[%mul3A_55, %dma_start3A_56] : memref<10000x128xf32, #tpu.memory_space<hbm>> -> memref<640x128xf32, #tpu.memory_space<hbm>>
        %dma_start3A_58 = arith.constant 0 : i32
        %dma_start3A_59 = tpu.memref_slice %arg14[%mul3A_53, %dma_start3A_58] : memref<10000x128xf32, #tpu.memory_space<vmem_shared>> -> memref<640x128xf32, #tpu.memory_space<vmem_shared>>
        tpu.enqueue_dma source(%dma_start3A_59 : memref<640x128xf32, #tpu.memory_space<vmem_shared>>) target(%dma_start3A_57 : memref<640x128xf32, #tpu.memory_space<hbm>>) target_semaphore(%run_scoped3A : memref<!tpu.dma_semaphore, #tpu.memory_space<semaphore_mem>>)
        %dma_wait3A_60 = arith.constant 0 : i32
        %dma_wait3A_61 = tpu.memref_slice %arg6[%mul3A_55, %dma_wait3A_60] : memref<10000x128xf32, #tpu.memory_space<hbm>> -> memref<640x128xf32, #tpu.memory_space<hbm>>
        %dma_wait3A_62 = arith.constant 0 : i32
        %dma_wait3A_63 = tpu.memref_slice %arg14[%mul3A_53, %dma_wait3A_62] : memref<10000x128xf32, #tpu.memory_space<vmem_shared>> -> memref<640x128xf32, #tpu.memory_space<vmem_shared>>
        tpu.wait_dma2 semaphore(%run_scoped3A : memref<!tpu.dma_semaphore, #tpu.memory_space<semaphore_mem>>) src(%dma_wait3A_63 : memref<640x128xf32, #tpu.memory_space<vmem_shared>>) dst(%dma_wait3A_61 : memref<640x128xf32, #tpu.memory_space<hbm>>)
        tpu.yield
      }) : () -> ()
    } else {
    }
    %eq3A_28 = arith.constant 0 : i32
    %eq3A_29 = arith.cmpi eq, %arg0, %eq3A_28 : i32
    %eq3A_30 = arith.constant 15 : i32
    %eq3A_31 = arith.cmpi eq, %arg1, %eq3A_30 : i32
    %and3A_32 = arith.andi %eq3A_29, %eq3A_31 : i1
    %convert_element_type3A_33 = arith.extui %and3A_32 : i1 to i32
    %cond3A_34 = arith.constant 0 : i32
    %cond3A_35 = arith.cmpi ne, %convert_element_type3A_33, %cond3A_34 : i32
    scf.if %cond3A_35 {
      "tpu.region"() ({
        %run_scoped3A = tpu.sem_alloc : memref<!tpu.dma_semaphore, #tpu.memory_space<semaphore_mem>>
        %dma_start3A_52 = arith.constant 9600 : i32
        %dma_start3A_53 = arith.constant 0 : i32
        %dma_start3A_54 = tpu.memref_slice %arg6[%dma_start3A_52, %dma_start3A_53] : memref<10000x128xf32, #tpu.memory_space<hbm>> -> memref<400x128xf32, #tpu.memory_space<hbm>>
        %dma_start3A_55 = arith.constant 9600 : i32
        %dma_start3A_56 = arith.constant 0 : i32
        %dma_start3A_57 = tpu.memref_slice %arg14[%dma_start3A_55, %dma_start3A_56] : memref<10000x128xf32, #tpu.memory_space<vmem_shared>> -> memref<400x128xf32, #tpu.memory_space<vmem_shared>>
        tpu.enqueue_dma source(%dma_start3A_57 : memref<400x128xf32, #tpu.memory_space<vmem_shared>>) target(%dma_start3A_54 : memref<400x128xf32, #tpu.memory_space<hbm>>) target_semaphore(%run_scoped3A : memref<!tpu.dma_semaphore, #tpu.memory_space<semaphore_mem>>)
        %dma_wait3A_58 = arith.constant 9600 : i32
        %dma_wait3A_59 = arith.constant 0 : i32
        %dma_wait3A_60 = tpu.memref_slice %arg6[%dma_wait3A_58, %dma_wait3A_59] : memref<10000x128xf32, #tpu.memory_space<hbm>> -> memref<400x128xf32, #tpu.memory_space<hbm>>
        %dma_wait3A_61 = arith.constant 9600 : i32
        %dma_wait3A_62 = arith.constant 0 : i32
        %dma_wait3A_63 = tpu.memref_slice %arg14[%dma_wait3A_61, %dma_wait3A_62] : memref<10000x128xf32, #tpu.memory_space<vmem_shared>> -> memref<400x128xf32, #tpu.memory_space<vmem_shared>>
        tpu.wait_dma2 semaphore(%run_scoped3A : memref<!tpu.dma_semaphore, #tpu.memory_space<semaphore_mem>>) src(%dma_wait3A_63 : memref<400x128xf32, #tpu.memory_space<vmem_shared>>) dst(%dma_wait3A_60 : memref<400x128xf32, #tpu.memory_space<hbm>>)
        tpu.yield
      }) : () -> ()
    } else {
    }
    %eq3A_36 = arith.constant 1 : i32
    %eq3A_37 = arith.cmpi eq, %arg0, %eq3A_36 : i32
    %lt3A_38 = arith.constant 15 : i32
    %lt3A_39 = arith.cmpi slt, %arg1, %lt3A_38 : i32
    %and3A_40 = arith.andi %eq3A_37, %lt3A_39 : i1
    %convert_element_type3A_41 = arith.extui %and3A_40 : i1 to i32
    %cond3A_42 = arith.constant 0 : i32
    %cond3A_43 = arith.cmpi ne, %convert_element_type3A_41, %cond3A_42 : i32
    scf.if %cond3A_43 {
      %mul3A_52 = arith.constant 640 : i32
      %mul3A_53 = arith.muli %arg1, %mul3A_52 : i32
      %mul3A_54 = arith.constant 640 : i32
      %mul3A_55 = arith.muli %arg1, %mul3A_54 : i32
      "tpu.region"() ({
        %run_scoped3A = tpu.sem_alloc : memref<!tpu.dma_semaphore, #tpu.memory_space<semaphore_mem>>
        %dma_start3A_56 = arith.constant 0 : i32
        %dma_start3A_57 = tpu.memref_slice %arg7[%mul3A_55, %dma_start3A_56] : memref<10000x128xf32, #tpu.memory_space<hbm>> -> memref<640x128xf32, #tpu.memory_space<hbm>>
        %dma_start3A_58 = arith.constant 0 : i32
        %dma_start3A_59 = tpu.memref_slice %arg14[%mul3A_53, %dma_start3A_58] : memref<10000x128xf32, #tpu.memory_space<vmem_shared>> -> memref<640x128xf32, #tpu.memory_space<vmem_shared>>
        tpu.enqueue_dma source(%dma_start3A_59 : memref<640x128xf32, #tpu.memory_space<vmem_shared>>) target(%dma_start3A_57 : memref<640x128xf32, #tpu.memory_space<hbm>>) target_semaphore(%run_scoped3A : memref<!tpu.dma_semaphore, #tpu.memory_space<semaphore_mem>>)
        %dma_wait3A_60 = arith.constant 0 : i32
        %dma_wait3A_61 = tpu.memref_slice %arg7[%mul3A_55, %dma_wait3A_60] : memref<10000x128xf32, #tpu.memory_space<hbm>> -> memref<640x128xf32, #tpu.memory_space<hbm>>
        %dma_wait3A_62 = arith.constant 0 : i32
        %dma_wait3A_63 = tpu.memref_slice %arg14[%mul3A_53, %dma_wait3A_62] : memref<10000x128xf32, #tpu.memory_space<vmem_shared>> -> memref<640x128xf32, #tpu.memory_space<vmem_shared>>
        tpu.wait_dma2 semaphore(%run_scoped3A : memref<!tpu.dma_semaphore, #tpu.memory_space<semaphore_mem>>) src(%dma_wait3A_63 : memref<640x128xf32, #tpu.memory_space<vmem_shared>>) dst(%dma_wait3A_61 : memref<640x128xf32, #tpu.memory_space<hbm>>)
        tpu.yield
      }) : () -> ()
    } else {
    }
    %eq3A_44 = arith.constant 1 : i32
    %eq3A_45 = arith.cmpi eq, %arg0, %eq3A_44 : i32
    %eq3A_46 = arith.constant 15 : i32
    %eq3A_47 = arith.cmpi eq, %arg1, %eq3A_46 : i32
    %and3A_48 = arith.andi %eq3A_45, %eq3A_47 : i1
    %convert_element_type3A_49 = arith.extui %and3A_48 : i1 to i32
    %cond3A_50 = arith.constant 0 : i32
    %cond3A_51 = arith.cmpi ne, %convert_element_type3A_49, %cond3A_50 : i32
    scf.if %cond3A_51 {
      "tpu.region"() ({
        %run_scoped3A = tpu.sem_alloc : memref<!tpu.dma_semaphore, #tpu.memory_space<semaphore_mem>>
        %dma_start3A_52 = arith.constant 9600 : i32
        %dma_start3A_53 = arith.constant 0 : i32
        %dma_start3A_54 = tpu.memref_slice %arg7[%dma_start3A_52, %dma_start3A_53] : memref<10000x128xf32, #tpu.memory_space<hbm>> -> memref<400x128xf32, #tpu.memory_space<hbm>>
        %dma_start3A_55 = arith.constant 9600 : i32
        %dma_start3A_56 = arith.constant 0 : i32
        %dma_start3A_57 = tpu.memref_slice %arg14[%dma_start3A_55, %dma_start3A_56] : memref<10000x128xf32, #tpu.memory_space<vmem_shared>> -> memref<400x128xf32, #tpu.memory_space<vmem_shared>>
        tpu.enqueue_dma source(%dma_start3A_57 : memref<400x128xf32, #tpu.memory_space<vmem_shared>>) target(%dma_start3A_54 : memref<400x128xf32, #tpu.memory_space<hbm>>) target_semaphore(%run_scoped3A : memref<!tpu.dma_semaphore, #tpu.memory_space<semaphore_mem>>)
        %dma_wait3A_58 = arith.constant 9600 : i32
        %dma_wait3A_59 = arith.constant 0 : i32
        %dma_wait3A_60 = tpu.memref_slice %arg7[%dma_wait3A_58, %dma_wait3A_59] : memref<10000x128xf32, #tpu.memory_space<hbm>> -> memref<400x128xf32, #tpu.memory_space<hbm>>
        %dma_wait3A_61 = arith.constant 9600 : i32
        %dma_wait3A_62 = arith.constant 0 : i32
        %dma_wait3A_63 = tpu.memref_slice %arg14[%dma_wait3A_61, %dma_wait3A_62] : memref<10000x128xf32, #tpu.memory_space<vmem_shared>> -> memref<400x128xf32, #tpu.memory_space<vmem_shared>>
        tpu.wait_dma2 semaphore(%run_scoped3A : memref<!tpu.dma_semaphore, #tpu.memory_space<semaphore_mem>>) src(%dma_wait3A_63 : memref<400x128xf32, #tpu.memory_space<vmem_shared>>) dst(%dma_wait3A_60 : memref<400x128xf32, #tpu.memory_space<hbm>>)
        tpu.yield
      }) : () -> ()
    } else {
    }
    return
  }
}

#map = affine_map<(d0, d1) -> (0)>
module attributes {stable_mosaic.version = 14 : i64} {
  func.func @_deg_kernel(%arg0: i32, %arg1: i32, %arg2: memref<320000xi32, #tpu.memory_space<hbm>>, %arg3: memref<128xf32, #tpu.memory_space<hbm>>, %arg4: memref<640xf32, #tpu.memory_space<hbm>>, %arg5: memref<10240xf32, #tpu.memory_space<hbm>>, %arg6: memref<10240xf32, #tpu.memory_space<hbm>>, %arg7: memref<128xi32, #tpu.memory_space<vmem>>, %arg8: memref<16xi32, #tpu.memory_space<vmem>>, %arg9: memref<128xf32, #tpu.memory_space<vmem>>, %arg10: memref<16xf32, #tpu.memory_space<vmem>>, %arg11: memref<10240xf32, #tpu.memory_space<vmem_shared>>) attributes {dimension_semantics = [#tpu.dimension_semantics<core_parallel>, #tpu.dimension_semantics<subcore_parallel>], iteration_bounds = array<i64: 2, 16>, scalar_prefetch = 0 : i64, scratch_operands = 5 : i64, tpu.core_type = #tpu.core_type<sc_vector_subcore>, window_params = [{transform_indices = #map}, {transform_indices = #map}, {transform_indices = #map}, {transform_indices = #map}, {transform_indices = #map}]} {
    %mul3A = arith.constant 2 : i32
    %mul3A_0 = arith.muli %arg1, %mul3A : i32
    %add3A = arith.addi %mul3A_0, %arg0 : i32
    %mul3A_1 = arith.constant 10000 : i32
    %mul3A_2 = arith.muli %add3A, %mul3A_1 : i32
    "tpu.region"() ({
      %run_scoped3A = tpu.sem_alloc : memref<!tpu.dma_semaphore, #tpu.memory_space<semaphore_mem>>
      %dma_start3A = arith.constant 0 : i32
      %dma_start3A_20 = tpu.memref_slice %arg3[%dma_start3A] : memref<128xf32, #tpu.memory_space<hbm>> -> memref<128xf32, #tpu.memory_space<hbm>>
      %dma_start3A_21 = arith.constant 0 : i32
      %dma_start3A_22 = tpu.memref_slice %arg3[%dma_start3A_21] : memref<128xf32, #tpu.memory_space<hbm>> -> memref<128xf32, #tpu.memory_space<hbm>>
      tpu.enqueue_dma source(%dma_start3A_22 : memref<128xf32, #tpu.memory_space<hbm>>) target(%arg9 : memref<128xf32, #tpu.memory_space<vmem>>) target_semaphore(%run_scoped3A : memref<!tpu.dma_semaphore, #tpu.memory_space<semaphore_mem>>)
      %dma_wait3A = arith.constant 0 : i32
      %dma_wait3A_23 = tpu.memref_slice %arg3[%dma_wait3A] : memref<128xf32, #tpu.memory_space<hbm>> -> memref<128xf32, #tpu.memory_space<hbm>>
      %dma_wait3A_24 = arith.constant 0 : i32
      %dma_wait3A_25 = tpu.memref_slice %arg3[%dma_wait3A_24] : memref<128xf32, #tpu.memory_space<hbm>> -> memref<128xf32, #tpu.memory_space<hbm>>
      tpu.wait_dma2 semaphore(%run_scoped3A : memref<!tpu.dma_semaphore, #tpu.memory_space<semaphore_mem>>) src(%dma_wait3A_25 : memref<128xf32, #tpu.memory_space<hbm>>) dst(%arg9 : memref<128xf32, #tpu.memory_space<vmem>>)
      tpu.yield
    }) : () -> ()
    "tpu.region"() ({
      %run_scoped3A = tpu.sem_alloc : memref<!tpu.dma_semaphore, #tpu.memory_space<semaphore_mem>>
      %dma_start3A = arith.constant 0 : i32
      %dma_start3A_20 = tpu.memref_slice %arg3[%dma_start3A] : memref<128xf32, #tpu.memory_space<hbm>> -> memref<16xf32, #tpu.memory_space<hbm>>
      %dma_start3A_21 = arith.constant 0 : i32
      %dma_start3A_22 = tpu.memref_slice %arg3[%dma_start3A_21] : memref<128xf32, #tpu.memory_space<hbm>> -> memref<16xf32, #tpu.memory_space<hbm>>
      tpu.enqueue_dma source(%dma_start3A_22 : memref<16xf32, #tpu.memory_space<hbm>>) target(%arg10 : memref<16xf32, #tpu.memory_space<vmem>>) target_semaphore(%run_scoped3A : memref<!tpu.dma_semaphore, #tpu.memory_space<semaphore_mem>>)
      %dma_wait3A = arith.constant 0 : i32
      %dma_wait3A_23 = tpu.memref_slice %arg3[%dma_wait3A] : memref<128xf32, #tpu.memory_space<hbm>> -> memref<16xf32, #tpu.memory_space<hbm>>
      %dma_wait3A_24 = arith.constant 0 : i32
      %dma_wait3A_25 = tpu.memref_slice %arg3[%dma_wait3A_24] : memref<128xf32, #tpu.memory_space<hbm>> -> memref<16xf32, #tpu.memory_space<hbm>>
      tpu.wait_dma2 semaphore(%run_scoped3A : memref<!tpu.dma_semaphore, #tpu.memory_space<semaphore_mem>>) src(%dma_wait3A_25 : memref<16xf32, #tpu.memory_space<hbm>>) dst(%arg10 : memref<16xf32, #tpu.memory_space<vmem>>)
      tpu.yield
    }) : () -> ()
    %mul3A_3 = arith.constant 640 : i32
    %mul3A_4 = arith.muli %arg1, %mul3A_3 : i32
    "tpu.region"() ({
      %run_scoped3A = tpu.sem_alloc : memref<!tpu.dma_semaphore, #tpu.memory_space<semaphore_mem>>
      %dma_start3A = tpu.memref_slice %arg11[%mul3A_4] : memref<10240xf32, #tpu.memory_space<vmem_shared>> -> memref<640xf32, #tpu.memory_space<vmem_shared>>
      tpu.enqueue_dma source(%arg4 : memref<640xf32, #tpu.memory_space<hbm>>) target(%dma_start3A : memref<640xf32, #tpu.memory_space<vmem_shared>>) target_semaphore(%run_scoped3A : memref<!tpu.dma_semaphore, #tpu.memory_space<semaphore_mem>>)
      %dma_wait3A = tpu.memref_slice %arg11[%mul3A_4] : memref<10240xf32, #tpu.memory_space<vmem_shared>> -> memref<640xf32, #tpu.memory_space<vmem_shared>>
      tpu.wait_dma2 semaphore(%run_scoped3A : memref<!tpu.dma_semaphore, #tpu.memory_space<semaphore_mem>>) src(%arg4 : memref<640xf32, #tpu.memory_space<hbm>>) dst(%dma_wait3A : memref<640xf32, #tpu.memory_space<vmem_shared>>)
      tpu.yield
    }) : () -> ()
    %barrier3A = arith.constant 0 : index
    tpu.barrier barrier_id(%barrier3A)
    %scan3A = arith.constant 0 : i32
    %scan3A_5 = arith.constant 0 : i32
    %scan3A_6 = arith.constant 78 : i32
    %scan3A_7 = arith.addi %scan3A_5, %scan3A_6 : i32
    %scan3A_8 = arith.constant 1 : i32
    scf.for %scan3A_20 = %scan3A_5 to %scan3A_7 step %scan3A_8  : i32 {
      %mul3A_21 = arith.constant 128 : i32
      %mul3A_22 = arith.muli %scan3A_20, %mul3A_21 : i32
      %add3A_23 = arith.addi %mul3A_2, %mul3A_22 : i32
      "tpu.region"() ({
        %run_scoped3A = tpu.sem_alloc : memref<!tpu.dma_semaphore, #tpu.memory_space<semaphore_mem>>
        %dma_start3A = tpu.memref_slice %arg2[%add3A_23] : memref<320000xi32, #tpu.memory_space<hbm>> -> memref<128xi32, #tpu.memory_space<hbm>>
        %dma_start3A_24 = tpu.memref_slice %arg2[%add3A_23] : memref<320000xi32, #tpu.memory_space<hbm>> -> memref<128xi32, #tpu.memory_space<hbm>>
        tpu.enqueue_dma source(%dma_start3A_24 : memref<128xi32, #tpu.memory_space<hbm>>) target(%arg7 : memref<128xi32, #tpu.memory_space<vmem>>) target_semaphore(%run_scoped3A : memref<!tpu.dma_semaphore, #tpu.memory_space<semaphore_mem>>)
        %dma_wait3A = tpu.memref_slice %arg2[%add3A_23] : memref<320000xi32, #tpu.memory_space<hbm>> -> memref<128xi32, #tpu.memory_space<hbm>>
        %dma_wait3A_25 = tpu.memref_slice %arg2[%add3A_23] : memref<320000xi32, #tpu.memory_space<hbm>> -> memref<128xi32, #tpu.memory_space<hbm>>
        tpu.wait_dma2 semaphore(%run_scoped3A : memref<!tpu.dma_semaphore, #tpu.memory_space<semaphore_mem>>) src(%dma_wait3A_25 : memref<128xi32, #tpu.memory_space<hbm>>) dst(%arg7 : memref<128xi32, #tpu.memory_space<vmem>>)
        tpu.yield
      }) : () -> ()
      "tpu.region"() ({
        %run_scoped3A = tpu.sem_alloc : memref<!tpu.dma_semaphore, #tpu.memory_space<semaphore_mem>>
        %dma_start3A = arith.constant 0 : i32
        %dma_start3A_24 = tpu.memref_slice %arg11[%dma_start3A] : memref<10240xf32, #tpu.memory_space<vmem_shared>> -> memref<10240xf32, #tpu.memory_space<vmem_shared>>
        tpu.enqueue_indirect_dma source(%arg9 : memref<128xf32, #tpu.memory_space<vmem>>) target(%dma_start3A_24 : memref<10240xf32, #tpu.memory_space<vmem_shared>>) offsets(%arg7 : memref<128xi32, #tpu.memory_space<vmem>>) semaphore(%run_scoped3A : memref<!tpu.dma_semaphore, #tpu.memory_space<semaphore_mem>>) {add = true}
        %dma_wait3A = arith.constant 0 : i32
        %dma_wait3A_25 = tpu.memref_slice %arg11[%dma_wait3A] : memref<10240xf32, #tpu.memory_space<vmem_shared>> -> memref<10240xf32, #tpu.memory_space<vmem_shared>>
        tpu.wait_indirect_dma semaphore(%run_scoped3A : memref<!tpu.dma_semaphore, #tpu.memory_space<semaphore_mem>>) src(%arg9 : memref<128xf32, #tpu.memory_space<vmem>>) dst(%dma_wait3A_25 : memref<10240xf32, #tpu.memory_space<vmem_shared>>)
        tpu.yield
      }) : () -> ()
    }
    %scan3A_9 = arith.constant 78 : i32
    %add3A_10 = arith.constant 9984 : i32
    %add3A_11 = arith.addi %mul3A_2, %add3A_10 : i32
    "tpu.region"() ({
      %run_scoped3A = tpu.sem_alloc : memref<!tpu.dma_semaphore, #tpu.memory_space<semaphore_mem>>
      %dma_start3A = tpu.memref_slice %arg2[%add3A_11] : memref<320000xi32, #tpu.memory_space<hbm>> -> memref<16xi32, #tpu.memory_space<hbm>>
      %dma_start3A_20 = tpu.memref_slice %arg2[%add3A_11] : memref<320000xi32, #tpu.memory_space<hbm>> -> memref<16xi32, #tpu.memory_space<hbm>>
      tpu.enqueue_dma source(%dma_start3A_20 : memref<16xi32, #tpu.memory_space<hbm>>) target(%arg8 : memref<16xi32, #tpu.memory_space<vmem>>) target_semaphore(%run_scoped3A : memref<!tpu.dma_semaphore, #tpu.memory_space<semaphore_mem>>)
      %dma_wait3A = tpu.memref_slice %arg2[%add3A_11] : memref<320000xi32, #tpu.memory_space<hbm>> -> memref<16xi32, #tpu.memory_space<hbm>>
      %dma_wait3A_21 = tpu.memref_slice %arg2[%add3A_11] : memref<320000xi32, #tpu.memory_space<hbm>> -> memref<16xi32, #tpu.memory_space<hbm>>
      tpu.wait_dma2 semaphore(%run_scoped3A : memref<!tpu.dma_semaphore, #tpu.memory_space<semaphore_mem>>) src(%dma_wait3A_21 : memref<16xi32, #tpu.memory_space<hbm>>) dst(%arg8 : memref<16xi32, #tpu.memory_space<vmem>>)
      tpu.yield
    }) : () -> ()
    "tpu.region"() ({
      %run_scoped3A = tpu.sem_alloc : memref<!tpu.dma_semaphore, #tpu.memory_space<semaphore_mem>>
      %dma_start3A = arith.constant 0 : i32
      %dma_start3A_20 = tpu.memref_slice %arg11[%dma_start3A] : memref<10240xf32, #tpu.memory_space<vmem_shared>> -> memref<10240xf32, #tpu.memory_space<vmem_shared>>
      tpu.enqueue_indirect_dma source(%arg10 : memref<16xf32, #tpu.memory_space<vmem>>) target(%dma_start3A_20 : memref<10240xf32, #tpu.memory_space<vmem_shared>>) offsets(%arg8 : memref<16xi32, #tpu.memory_space<vmem>>) semaphore(%run_scoped3A : memref<!tpu.dma_semaphore, #tpu.memory_space<semaphore_mem>>) {add = true}
      %dma_wait3A = arith.constant 0 : i32
      %dma_wait3A_21 = tpu.memref_slice %arg11[%dma_wait3A] : memref<10240xf32, #tpu.memory_space<vmem_shared>> -> memref<10240xf32, #tpu.memory_space<vmem_shared>>
      tpu.wait_indirect_dma semaphore(%run_scoped3A : memref<!tpu.dma_semaphore, #tpu.memory_space<semaphore_mem>>) src(%arg10 : memref<16xf32, #tpu.memory_space<vmem>>) dst(%dma_wait3A_21 : memref<10240xf32, #tpu.memory_space<vmem_shared>>)
      tpu.yield
    }) : () -> ()
    %barrier3A_12 = arith.constant 0 : index
    tpu.barrier barrier_id(%barrier3A_12)
    %eq3A = arith.constant 0 : i32
    %eq3A_13 = arith.cmpi eq, %arg0, %eq3A : i32
    %convert_element_type3A = arith.extui %eq3A_13 : i1 to i32
    %cond3A = arith.constant 0 : i32
    %cond3A_14 = arith.cmpi ne, %convert_element_type3A, %cond3A : i32
    scf.if %cond3A_14 {
      %mul3A_20 = arith.constant 640 : i32
      %mul3A_21 = arith.muli %arg1, %mul3A_20 : i32
      %mul3A_22 = arith.constant 640 : i32
      %mul3A_23 = arith.muli %arg1, %mul3A_22 : i32
      "tpu.region"() ({
        %run_scoped3A = tpu.sem_alloc : memref<!tpu.dma_semaphore, #tpu.memory_space<semaphore_mem>>
        %dma_start3A = tpu.memref_slice %arg5[%mul3A_23] : memref<10240xf32, #tpu.memory_space<hbm>> -> memref<640xf32, #tpu.memory_space<hbm>>
        %dma_start3A_24 = tpu.memref_slice %arg11[%mul3A_21] : memref<10240xf32, #tpu.memory_space<vmem_shared>> -> memref<640xf32, #tpu.memory_space<vmem_shared>>
        tpu.enqueue_dma source(%dma_start3A_24 : memref<640xf32, #tpu.memory_space<vmem_shared>>) target(%dma_start3A : memref<640xf32, #tpu.memory_space<hbm>>) target_semaphore(%run_scoped3A : memref<!tpu.dma_semaphore, #tpu.memory_space<semaphore_mem>>)
        %dma_wait3A = tpu.memref_slice %arg5[%mul3A_23] : memref<10240xf32, #tpu.memory_space<hbm>> -> memref<640xf32, #tpu.memory_space<hbm>>
        %dma_wait3A_25 = tpu.memref_slice %arg11[%mul3A_21] : memref<10240xf32, #tpu.memory_space<vmem_shared>> -> memref<640xf32, #tpu.memory_space<vmem_shared>>
        tpu.wait_dma2 semaphore(%run_scoped3A : memref<!tpu.dma_semaphore, #tpu.memory_space<semaphore_mem>>) src(%dma_wait3A_25 : memref<640xf32, #tpu.memory_space<vmem_shared>>) dst(%dma_wait3A : memref<640xf32, #tpu.memory_space<hbm>>)
        tpu.yield
      }) : () -> ()
    } else {
    }
    %eq3A_15 = arith.constant 1 : i32
    %eq3A_16 = arith.cmpi eq, %arg0, %eq3A_15 : i32
    %convert_element_type3A_17 = arith.extui %eq3A_16 : i1 to i32
    %cond3A_18 = arith.constant 0 : i32
    %cond3A_19 = arith.cmpi ne, %convert_element_type3A_17, %cond3A_18 : i32
    scf.if %cond3A_19 {
      %mul3A_20 = arith.constant 640 : i32
      %mul3A_21 = arith.muli %arg1, %mul3A_20 : i32
      %mul3A_22 = arith.constant 640 : i32
      %mul3A_23 = arith.muli %arg1, %mul3A_22 : i32
      "tpu.region"() ({
        %run_scoped3A = tpu.sem_alloc : memref<!tpu.dma_semaphore, #tpu.memory_space<semaphore_mem>>
        %dma_start3A = tpu.memref_slice %arg6[%mul3A_23] : memref<10240xf32, #tpu.memory_space<hbm>> -> memref<640xf32, #tpu.memory_space<hbm>>
        %dma_start3A_24 = tpu.memref_slice %arg11[%mul3A_21] : memref<10240xf32, #tpu.memory_space<vmem_shared>> -> memref<640xf32, #tpu.memory_space<vmem_shared>>
        tpu.enqueue_dma source(%dma_start3A_24 : memref<640xf32, #tpu.memory_space<vmem_shared>>) target(%dma_start3A : memref<640xf32, #tpu.memory_space<hbm>>) target_semaphore(%run_scoped3A : memref<!tpu.dma_semaphore, #tpu.memory_space<semaphore_mem>>)
        %dma_wait3A = tpu.memref_slice %arg6[%mul3A_23] : memref<10240xf32, #tpu.memory_space<hbm>> -> memref<640xf32, #tpu.memory_space<hbm>>
        %dma_wait3A_25 = tpu.memref_slice %arg11[%mul3A_21] : memref<10240xf32, #tpu.memory_space<vmem_shared>> -> memref<640xf32, #tpu.memory_space<vmem_shared>>
        tpu.wait_dma2 semaphore(%run_scoped3A : memref<!tpu.dma_semaphore, #tpu.memory_space<semaphore_mem>>) src(%dma_wait3A_25 : memref<640xf32, #tpu.memory_space<vmem_shared>>) dst(%dma_wait3A : memref<640xf32, #tpu.memory_space<hbm>>)
        tpu.yield
      }) : () -> ()
    } else {
    }
    return
  }
}

#map = affine_map<(d0, d1) -> (0, 0)>
#map1 = affine_map<(d0, d1) -> (0)>
module attributes {stable_mosaic.version = 14 : i64} {
  func.func @_spmm_kernel(%arg0: i32, %arg1: i32, %arg2: memref<10000x128xf32, #tpu.memory_space<hbm>>, %arg3: memref<320000xi32, #tpu.memory_space<hbm>>, %arg4: memref<320000xi32, #tpu.memory_space<hbm>>, %arg5: memref<640x128xf32, #tpu.memory_space<hbm>>, %arg6: memref<10000x128xf32, #tpu.memory_space<hbm>>, %arg7: memref<10000x128xf32, #tpu.memory_space<hbm>>, %arg8: memref<128xi32, #tpu.memory_space<vmem>>, %arg9: memref<128xi32, #tpu.memory_space<vmem>>, %arg10: memref<16xi32, #tpu.memory_space<vmem>>, %arg11: memref<16xi32, #tpu.memory_space<vmem>>, %arg12: memref<128x128xf32, #tpu.memory_space<vmem>>, %arg13: memref<16x128xf32, #tpu.memory_space<vmem>>, %arg14: memref<10000x128xf32, #tpu.memory_space<vmem_shared>>, %arg15: memref<!tpu.dma_semaphore, #tpu.memory_space<semaphore_mem>>) attributes {dimension_semantics = [#tpu.dimension_semantics<core_parallel>, #tpu.dimension_semantics<subcore_parallel>], iteration_bounds = array<i64: 2, 16>, scalar_prefetch = 0 : i64, scratch_operands = 8 : i64, tpu.core_type = #tpu.core_type<sc_vector_subcore>, window_params = [{transform_indices = #map}, {transform_indices = #map1}, {transform_indices = #map1}, {transform_indices = #map}, {transform_indices = #map}, {transform_indices = #map}]} {
    %mul3A = arith.constant 2 : i32
    %mul3A_0 = arith.muli %arg1, %mul3A : i32
    %add3A = arith.addi %mul3A_0, %arg0 : i32
    %mul3A_1 = arith.constant 10000 : i32
    %mul3A_2 = arith.muli %add3A, %mul3A_1 : i32
    %lt3A = arith.constant 15 : i32
    %lt3A_3 = arith.cmpi slt, %arg1, %lt3A : i32
    %convert_element_type3A = arith.extui %lt3A_3 : i1 to i32
    %cond3A = arith.constant 0 : i32
    %cond3A_4 = arith.cmpi ne, %convert_element_type3A, %cond3A : i32
    scf.if %cond3A_4 {
      %mul3A_52 = arith.constant 640 : i32
      %mul3A_53 = arith.muli %arg1, %mul3A_52 : i32
      "tpu.region"() ({
        %run_scoped3A = tpu.sem_alloc : memref<!tpu.dma_semaphore, #tpu.memory_space<semaphore_mem>>
        %dma_start3A_54 = arith.constant 0 : i32
        %dma_start3A_55 = tpu.memref_slice %arg14[%mul3A_53, %dma_start3A_54] : memref<10000x128xf32, #tpu.memory_space<vmem_shared>> -> memref<640x128xf32, #tpu.memory_space<vmem_shared>>
        %dma_start3A_56 = arith.constant 0 : i32
        %dma_start3A_57 = arith.constant 0 : i32
        %dma_start3A_58 = tpu.memref_slice %arg5[%dma_start3A_56, %dma_start3A_57] : memref<640x128xf32, #tpu.memory_space<hbm>> -> memref<640x128xf32, #tpu.memory_space<hbm>>
        tpu.enqueue_dma source(%dma_start3A_58 : memref<640x128xf32, #tpu.memory_space<hbm>>) target(%dma_start3A_55 : memref<640x128xf32, #tpu.memory_space<vmem_shared>>) target_semaphore(%run_scoped3A : memref<!tpu.dma_semaphore, #tpu.memory_space<semaphore_mem>>)
        %dma_wait3A_59 = arith.constant 0 : i32
        %dma_wait3A_60 = tpu.memref_slice %arg14[%mul3A_53, %dma_wait3A_59] : memref<10000x128xf32, #tpu.memory_space<vmem_shared>> -> memref<640x128xf32, #tpu.memory_space<vmem_shared>>
        %dma_wait3A_61 = arith.constant 0 : i32
        %dma_wait3A_62 = arith.constant 0 : i32
        %dma_wait3A_63 = tpu.memref_slice %arg5[%dma_wait3A_61, %dma_wait3A_62] : memref<640x128xf32, #tpu.memory_space<hbm>> -> memref<640x128xf32, #tpu.memory_space<hbm>>
        tpu.wait_dma2 semaphore(%run_scoped3A : memref<!tpu.dma_semaphore, #tpu.memory_space<semaphore_mem>>) src(%dma_wait3A_63 : memref<640x128xf32, #tpu.memory_space<hbm>>) dst(%dma_wait3A_60 : memref<640x128xf32, #tpu.memory_space<vmem_shared>>)
        tpu.yield
      }) : () -> ()
    } else {
    }
    %eq3A = arith.constant 15 : i32
    %eq3A_5 = arith.cmpi eq, %arg1, %eq3A : i32
    %convert_element_type3A_6 = arith.extui %eq3A_5 : i1 to i32
    %cond3A_7 = arith.constant 0 : i32
    %cond3A_8 = arith.cmpi ne, %convert_element_type3A_6, %cond3A_7 : i32
    scf.if %cond3A_8 {
      "tpu.region"() ({
        %run_scoped3A = tpu.sem_alloc : memref<!tpu.dma_semaphore, #tpu.memory_space<semaphore_mem>>
        %dma_start3A_52 = arith.constant 9600 : i32
        %dma_start3A_53 = arith.constant 0 : i32
        %dma_start3A_54 = tpu.memref_slice %arg14[%dma_start3A_52, %dma_start3A_53] : memref<10000x128xf32, #tpu.memory_space<vmem_shared>> -> memref<400x128xf32, #tpu.memory_space<vmem_shared>>
        %dma_start3A_55 = arith.constant 0 : i32
        %dma_start3A_56 = arith.constant 0 : i32
        %dma_start3A_57 = tpu.memref_slice %arg5[%dma_start3A_55, %dma_start3A_56] : memref<640x128xf32, #tpu.memory_space<hbm>> -> memref<400x128xf32, #tpu.memory_space<hbm>>
        tpu.enqueue_dma source(%dma_start3A_57 : memref<400x128xf32, #tpu.memory_space<hbm>>) target(%dma_start3A_54 : memref<400x128xf32, #tpu.memory_space<vmem_shared>>) target_semaphore(%run_scoped3A : memref<!tpu.dma_semaphore, #tpu.memory_space<semaphore_mem>>)
        %dma_wait3A_58 = arith.constant 9600 : i32
        %dma_wait3A_59 = arith.constant 0 : i32
        %dma_wait3A_60 = tpu.memref_slice %arg14[%dma_wait3A_58, %dma_wait3A_59] : memref<10000x128xf32, #tpu.memory_space<vmem_shared>> -> memref<400x128xf32, #tpu.memory_space<vmem_shared>>
        %dma_wait3A_61 = arith.constant 0 : i32
        %dma_wait3A_62 = arith.constant 0 : i32
        %dma_wait3A_63 = tpu.memref_slice %arg5[%dma_wait3A_61, %dma_wait3A_62] : memref<640x128xf32, #tpu.memory_space<hbm>> -> memref<400x128xf32, #tpu.memory_space<hbm>>
        tpu.wait_dma2 semaphore(%run_scoped3A : memref<!tpu.dma_semaphore, #tpu.memory_space<semaphore_mem>>) src(%dma_wait3A_63 : memref<400x128xf32, #tpu.memory_space<hbm>>) dst(%dma_wait3A_60 : memref<400x128xf32, #tpu.memory_space<vmem_shared>>)
        tpu.yield
      }) : () -> ()
    } else {
    }
    %barrier3A = arith.constant 0 : index
    tpu.barrier barrier_id(%barrier3A)
    %scan3A = arith.constant 0 : i32
    %scan3A_9 = arith.constant 0 : i32
    %scan3A_10 = arith.constant 78 : i32
    %scan3A_11 = arith.addi %scan3A_9, %scan3A_10 : i32
    %scan3A_12 = arith.constant 1 : i32
    scf.for %scan3A_52 = %scan3A_9 to %scan3A_11 step %scan3A_12  : i32 {
      %mul3A_53 = arith.constant 128 : i32
      %mul3A_54 = arith.muli %scan3A_52, %mul3A_53 : i32
      %add3A_55 = arith.addi %mul3A_2, %mul3A_54 : i32
      "tpu.region"() ({
        %run_scoped3A = tpu.sem_alloc : memref<!tpu.dma_semaphore, #tpu.memory_space<semaphore_mem>>
        %dma_start3A_62 = tpu.memref_slice %arg3[%add3A_55] : memref<320000xi32, #tpu.memory_space<hbm>> -> memref<128xi32, #tpu.memory_space<hbm>>
        %dma_start3A_63 = tpu.memref_slice %arg3[%add3A_55] : memref<320000xi32, #tpu.memory_space<hbm>> -> memref<128xi32, #tpu.memory_space<hbm>>
        tpu.enqueue_dma source(%dma_start3A_63 : memref<128xi32, #tpu.memory_space<hbm>>) target(%arg8 : memref<128xi32, #tpu.memory_space<vmem>>) target_semaphore(%run_scoped3A : memref<!tpu.dma_semaphore, #tpu.memory_space<semaphore_mem>>)
        %dma_wait3A_64 = tpu.memref_slice %arg3[%add3A_55] : memref<320000xi32, #tpu.memory_space<hbm>> -> memref<128xi32, #tpu.memory_space<hbm>>
        %dma_wait3A_65 = tpu.memref_slice %arg3[%add3A_55] : memref<320000xi32, #tpu.memory_space<hbm>> -> memref<128xi32, #tpu.memory_space<hbm>>
        tpu.wait_dma2 semaphore(%run_scoped3A : memref<!tpu.dma_semaphore, #tpu.memory_space<semaphore_mem>>) src(%dma_wait3A_65 : memref<128xi32, #tpu.memory_space<hbm>>) dst(%arg8 : memref<128xi32, #tpu.memory_space<vmem>>)
        tpu.yield
      }) : () -> ()
      "tpu.region"() ({
        %run_scoped3A = tpu.sem_alloc : memref<!tpu.dma_semaphore, #tpu.memory_space<semaphore_mem>>
        %dma_start3A_62 = tpu.memref_slice %arg4[%add3A_55] : memref<320000xi32, #tpu.memory_space<hbm>> -> memref<128xi32, #tpu.memory_space<hbm>>
        %dma_start3A_63 = tpu.memref_slice %arg4[%add3A_55] : memref<320000xi32, #tpu.memory_space<hbm>> -> memref<128xi32, #tpu.memory_space<hbm>>
        tpu.enqueue_dma source(%dma_start3A_63 : memref<128xi32, #tpu.memory_space<hbm>>) target(%arg9 : memref<128xi32, #tpu.memory_space<vmem>>) target_semaphore(%run_scoped3A : memref<!tpu.dma_semaphore, #tpu.memory_space<semaphore_mem>>)
        %dma_wait3A_64 = tpu.memref_slice %arg4[%add3A_55] : memref<320000xi32, #tpu.memory_space<hbm>> -> memref<128xi32, #tpu.memory_space<hbm>>
        %dma_wait3A_65 = tpu.memref_slice %arg4[%add3A_55] : memref<320000xi32, #tpu.memory_space<hbm>> -> memref<128xi32, #tpu.memory_space<hbm>>
        tpu.wait_dma2 semaphore(%run_scoped3A : memref<!tpu.dma_semaphore, #tpu.memory_space<semaphore_mem>>) src(%dma_wait3A_65 : memref<128xi32, #tpu.memory_space<hbm>>) dst(%arg9 : memref<128xi32, #tpu.memory_space<vmem>>)
        tpu.yield
      }) : () -> ()
      %dma_start3A_56 = arith.constant 0 : i32
      %dma_start3A_57 = arith.constant 0 : i32
      %dma_start3A_58 = tpu.memref_slice %arg2[%dma_start3A_56, %dma_start3A_57] : memref<10000x128xf32, #tpu.memory_space<hbm>> -> memref<10000x128xf32, #tpu.memory_space<hbm>>
      tpu.enqueue_indirect_dma source(%dma_start3A_58 : memref<10000x128xf32, #tpu.memory_space<hbm>>) target(%arg12 : memref<128x128xf32, #tpu.memory_space<vmem>>) offsets(%arg8 : memref<128xi32, #tpu.memory_space<vmem>>) semaphore(%arg15 : memref<!tpu.dma_semaphore, #tpu.memory_space<semaphore_mem>>)
      %dma_wait3A_59 = arith.constant 0 : i32
      %dma_wait3A_60 = arith.constant 0 : i32
      %dma_wait3A_61 = tpu.memref_slice %arg2[%dma_wait3A_59, %dma_wait3A_60] : memref<10000x128xf32, #tpu.memory_space<hbm>> -> memref<10000x128xf32, #tpu.memory_space<hbm>>
      tpu.wait_indirect_dma semaphore(%arg15 : memref<!tpu.dma_semaphore, #tpu.memory_space<semaphore_mem>>) src(%dma_wait3A_61 : memref<10000x128xf32, #tpu.memory_space<hbm>>) dst(%arg12 : memref<128x128xf32, #tpu.memory_space<vmem>>)
      "tpu.region"() ({
        %run_scoped3A = tpu.sem_alloc : memref<!tpu.dma_semaphore, #tpu.memory_space<semaphore_mem>>
        %dma_start3A_62 = arith.constant 0 : i32
        %dma_start3A_63 = arith.constant 0 : i32
        %dma_start3A_64 = tpu.memref_slice %arg14[%dma_start3A_62, %dma_start3A_63] : memref<10000x128xf32, #tpu.memory_space<vmem_shared>> -> memref<10000x128xf32, #tpu.memory_space<vmem_shared>>
        tpu.enqueue_indirect_dma source(%arg12 : memref<128x128xf32, #tpu.memory_space<vmem>>) target(%dma_start3A_64 : memref<10000x128xf32, #tpu.memory_space<vmem_shared>>) offsets(%arg9 : memref<128xi32, #tpu.memory_space<vmem>>) semaphore(%run_scoped3A : memref<!tpu.dma_semaphore, #tpu.memory_space<semaphore_mem>>) {add = true}
        %dma_wait3A_65 = arith.constant 0 : i32
        %dma_wait3A_66 = arith.constant 0 : i32
        %dma_wait3A_67 = tpu.memref_slice %arg14[%dma_wait3A_65, %dma_wait3A_66] : memref<10000x128xf32, #tpu.memory_space<vmem_shared>> -> memref<10000x128xf32, #tpu.memory_space<vmem_shared>>
        tpu.wait_indirect_dma semaphore(%run_scoped3A : memref<!tpu.dma_semaphore, #tpu.memory_space<semaphore_mem>>) src(%arg12 : memref<128x128xf32, #tpu.memory_space<vmem>>) dst(%dma_wait3A_67 : memref<10000x128xf32, #tpu.memory_space<vmem_shared>>)
        tpu.yield
      }) : () -> ()
    }
    %scan3A_13 = arith.constant 78 : i32
    %add3A_14 = arith.constant 9984 : i32
    %add3A_15 = arith.addi %mul3A_2, %add3A_14 : i32
    "tpu.region"() ({
      %run_scoped3A = tpu.sem_alloc : memref<!tpu.dma_semaphore, #tpu.memory_space<semaphore_mem>>
      %dma_start3A_52 = tpu.memref_slice %arg3[%add3A_15] : memref<320000xi32, #tpu.memory_space<hbm>> -> memref<16xi32, #tpu.memory_space<hbm>>
      %dma_start3A_53 = tpu.memref_slice %arg3[%add3A_15] : memref<320000xi32, #tpu.memory_space<hbm>> -> memref<16xi32, #tpu.memory_space<hbm>>
      tpu.enqueue_dma source(%dma_start3A_53 : memref<16xi32, #tpu.memory_space<hbm>>) target(%arg10 : memref<16xi32, #tpu.memory_space<vmem>>) target_semaphore(%run_scoped3A : memref<!tpu.dma_semaphore, #tpu.memory_space<semaphore_mem>>)
      %dma_wait3A_54 = tpu.memref_slice %arg3[%add3A_15] : memref<320000xi32, #tpu.memory_space<hbm>> -> memref<16xi32, #tpu.memory_space<hbm>>
      %dma_wait3A_55 = tpu.memref_slice %arg3[%add3A_15] : memref<320000xi32, #tpu.memory_space<hbm>> -> memref<16xi32, #tpu.memory_space<hbm>>
      tpu.wait_dma2 semaphore(%run_scoped3A : memref<!tpu.dma_semaphore, #tpu.memory_space<semaphore_mem>>) src(%dma_wait3A_55 : memref<16xi32, #tpu.memory_space<hbm>>) dst(%arg10 : memref<16xi32, #tpu.memory_space<vmem>>)
      tpu.yield
    }) : () -> ()
    "tpu.region"() ({
      %run_scoped3A = tpu.sem_alloc : memref<!tpu.dma_semaphore, #tpu.memory_space<semaphore_mem>>
      %dma_start3A_52 = tpu.memref_slice %arg4[%add3A_15] : memref<320000xi32, #tpu.memory_space<hbm>> -> memref<16xi32, #tpu.memory_space<hbm>>
      %dma_start3A_53 = tpu.memref_slice %arg4[%add3A_15] : memref<320000xi32, #tpu.memory_space<hbm>> -> memref<16xi32, #tpu.memory_space<hbm>>
      tpu.enqueue_dma source(%dma_start3A_53 : memref<16xi32, #tpu.memory_space<hbm>>) target(%arg11 : memref<16xi32, #tpu.memory_space<vmem>>) target_semaphore(%run_scoped3A : memref<!tpu.dma_semaphore, #tpu.memory_space<semaphore_mem>>)
      %dma_wait3A_54 = tpu.memref_slice %arg4[%add3A_15] : memref<320000xi32, #tpu.memory_space<hbm>> -> memref<16xi32, #tpu.memory_space<hbm>>
      %dma_wait3A_55 = tpu.memref_slice %arg4[%add3A_15] : memref<320000xi32, #tpu.memory_space<hbm>> -> memref<16xi32, #tpu.memory_space<hbm>>
      tpu.wait_dma2 semaphore(%run_scoped3A : memref<!tpu.dma_semaphore, #tpu.memory_space<semaphore_mem>>) src(%dma_wait3A_55 : memref<16xi32, #tpu.memory_space<hbm>>) dst(%arg11 : memref<16xi32, #tpu.memory_space<vmem>>)
      tpu.yield
    }) : () -> ()
    %dma_start3A = arith.constant 0 : i32
    %dma_start3A_16 = arith.constant 0 : i32
    %dma_start3A_17 = tpu.memref_slice %arg2[%dma_start3A, %dma_start3A_16] : memref<10000x128xf32, #tpu.memory_space<hbm>> -> memref<10000x128xf32, #tpu.memory_space<hbm>>
    tpu.enqueue_indirect_dma source(%dma_start3A_17 : memref<10000x128xf32, #tpu.memory_space<hbm>>) target(%arg13 : memref<16x128xf32, #tpu.memory_space<vmem>>) offsets(%arg10 : memref<16xi32, #tpu.memory_space<vmem>>) semaphore(%arg15 : memref<!tpu.dma_semaphore, #tpu.memory_space<semaphore_mem>>)
    %dma_wait3A = arith.constant 0 : i32
    %dma_wait3A_18 = arith.constant 0 : i32
    %dma_wait3A_19 = tpu.memref_slice %arg2[%dma_wait3A, %dma_wait3A_18] : memref<10000x128xf32, #tpu.memory_space<hbm>> -> memref<10000x128xf32, #tpu.memory_space<hbm>>
    tpu.wait_indirect_dma semaphore(%arg15 : memref<!tpu.dma_semaphore, #tpu.memory_space<semaphore_mem>>) src(%dma_wait3A_19 : memref<10000x128xf32, #tpu.memory_space<hbm>>) dst(%arg13 : memref<16x128xf32, #tpu.memory_space<vmem>>)
    "tpu.region"() ({
      %run_scoped3A = tpu.sem_alloc : memref<!tpu.dma_semaphore, #tpu.memory_space<semaphore_mem>>
      %dma_start3A_52 = arith.constant 0 : i32
      %dma_start3A_53 = arith.constant 0 : i32
      %dma_start3A_54 = tpu.memref_slice %arg14[%dma_start3A_52, %dma_start3A_53] : memref<10000x128xf32, #tpu.memory_space<vmem_shared>> -> memref<10000x128xf32, #tpu.memory_space<vmem_shared>>
      tpu.enqueue_indirect_dma source(%arg13 : memref<16x128xf32, #tpu.memory_space<vmem>>) target(%dma_start3A_54 : memref<10000x128xf32, #tpu.memory_space<vmem_shared>>) offsets(%arg11 : memref<16xi32, #tpu.memory_space<vmem>>) semaphore(%run_scoped3A : memref<!tpu.dma_semaphore, #tpu.memory_space<semaphore_mem>>) {add = true}
      %dma_wait3A_55 = arith.constant 0 : i32
      %dma_wait3A_56 = arith.constant 0 : i32
      %dma_wait3A_57 = tpu.memref_slice %arg14[%dma_wait3A_55, %dma_wait3A_56] : memref<10000x128xf32, #tpu.memory_space<vmem_shared>> -> memref<10000x128xf32, #tpu.memory_space<vmem_shared>>
      tpu.wait_indirect_dma semaphore(%run_scoped3A : memref<!tpu.dma_semaphore, #tpu.memory_space<semaphore_mem>>) src(%arg13 : memref<16x128xf32, #tpu.memory_space<vmem>>) dst(%dma_wait3A_57 : memref<10000x128xf32, #tpu.memory_space<vmem_shared>>)
      tpu.yield
    }) : () -> ()
    %barrier3A_20 = arith.constant 0 : index
    tpu.barrier barrier_id(%barrier3A_20)
    %eq3A_21 = arith.constant 0 : i32
    %eq3A_22 = arith.cmpi eq, %arg0, %eq3A_21 : i32
    %lt3A_23 = arith.constant 15 : i32
    %lt3A_24 = arith.cmpi slt, %arg1, %lt3A_23 : i32
    %and3A = arith.andi %eq3A_22, %lt3A_24 : i1
    %convert_element_type3A_25 = arith.extui %and3A : i1 to i32
    %cond3A_26 = arith.constant 0 : i32
    %cond3A_27 = arith.cmpi ne, %convert_element_type3A_25, %cond3A_26 : i32
    scf.if %cond3A_27 {
      %mul3A_52 = arith.constant 640 : i32
      %mul3A_53 = arith.muli %arg1, %mul3A_52 : i32
      %mul3A_54 = arith.constant 640 : i32
      %mul3A_55 = arith.muli %arg1, %mul3A_54 : i32
      "tpu.region"() ({
        %run_scoped3A = tpu.sem_alloc : memref<!tpu.dma_semaphore, #tpu.memory_space<semaphore_mem>>
        %dma_start3A_56 = arith.constant 0 : i32
        %dma_start3A_57 = tpu.memref_slice %arg6[%mul3A_55, %dma_start3A_56] : memref<10000x128xf32, #tpu.memory_space<hbm>> -> memref<640x128xf32, #tpu.memory_space<hbm>>
        %dma_start3A_58 = arith.constant 0 : i32
        %dma_start3A_59 = tpu.memref_slice %arg14[%mul3A_53, %dma_start3A_58] : memref<10000x128xf32, #tpu.memory_space<vmem_shared>> -> memref<640x128xf32, #tpu.memory_space<vmem_shared>>
        tpu.enqueue_dma source(%dma_start3A_59 : memref<640x128xf32, #tpu.memory_space<vmem_shared>>) target(%dma_start3A_57 : memref<640x128xf32, #tpu.memory_space<hbm>>) target_semaphore(%run_scoped3A : memref<!tpu.dma_semaphore, #tpu.memory_space<semaphore_mem>>)
        %dma_wait3A_60 = arith.constant 0 : i32
        %dma_wait3A_61 = tpu.memref_slice %arg6[%mul3A_55, %dma_wait3A_60] : memref<10000x128xf32, #tpu.memory_space<hbm>> -> memref<640x128xf32, #tpu.memory_space<hbm>>
        %dma_wait3A_62 = arith.constant 0 : i32
        %dma_wait3A_63 = tpu.memref_slice %arg14[%mul3A_53, %dma_wait3A_62] : memref<10000x128xf32, #tpu.memory_space<vmem_shared>> -> memref<640x128xf32, #tpu.memory_space<vmem_shared>>
        tpu.wait_dma2 semaphore(%run_scoped3A : memref<!tpu.dma_semaphore, #tpu.memory_space<semaphore_mem>>) src(%dma_wait3A_63 : memref<640x128xf32, #tpu.memory_space<vmem_shared>>) dst(%dma_wait3A_61 : memref<640x128xf32, #tpu.memory_space<hbm>>)
        tpu.yield
      }) : () -> ()
    } else {
    }
    %eq3A_28 = arith.constant 0 : i32
    %eq3A_29 = arith.cmpi eq, %arg0, %eq3A_28 : i32
    %eq3A_30 = arith.constant 15 : i32
    %eq3A_31 = arith.cmpi eq, %arg1, %eq3A_30 : i32
    %and3A_32 = arith.andi %eq3A_29, %eq3A_31 : i1
    %convert_element_type3A_33 = arith.extui %and3A_32 : i1 to i32
    %cond3A_34 = arith.constant 0 : i32
    %cond3A_35 = arith.cmpi ne, %convert_element_type3A_33, %cond3A_34 : i32
    scf.if %cond3A_35 {
      "tpu.region"() ({
        %run_scoped3A = tpu.sem_alloc : memref<!tpu.dma_semaphore, #tpu.memory_space<semaphore_mem>>
        %dma_start3A_52 = arith.constant 9600 : i32
        %dma_start3A_53 = arith.constant 0 : i32
        %dma_start3A_54 = tpu.memref_slice %arg6[%dma_start3A_52, %dma_start3A_53] : memref<10000x128xf32, #tpu.memory_space<hbm>> -> memref<400x128xf32, #tpu.memory_space<hbm>>
        %dma_start3A_55 = arith.constant 9600 : i32
        %dma_start3A_56 = arith.constant 0 : i32
        %dma_start3A_57 = tpu.memref_slice %arg14[%dma_start3A_55, %dma_start3A_56] : memref<10000x128xf32, #tpu.memory_space<vmem_shared>> -> memref<400x128xf32, #tpu.memory_space<vmem_shared>>
        tpu.enqueue_dma source(%dma_start3A_57 : memref<400x128xf32, #tpu.memory_space<vmem_shared>>) target(%dma_start3A_54 : memref<400x128xf32, #tpu.memory_space<hbm>>) target_semaphore(%run_scoped3A : memref<!tpu.dma_semaphore, #tpu.memory_space<semaphore_mem>>)
        %dma_wait3A_58 = arith.constant 9600 : i32
        %dma_wait3A_59 = arith.constant 0 : i32
        %dma_wait3A_60 = tpu.memref_slice %arg6[%dma_wait3A_58, %dma_wait3A_59] : memref<10000x128xf32, #tpu.memory_space<hbm>> -> memref<400x128xf32, #tpu.memory_space<hbm>>
        %dma_wait3A_61 = arith.constant 9600 : i32
        %dma_wait3A_62 = arith.constant 0 : i32
        %dma_wait3A_63 = tpu.memref_slice %arg14[%dma_wait3A_61, %dma_wait3A_62] : memref<10000x128xf32, #tpu.memory_space<vmem_shared>> -> memref<400x128xf32, #tpu.memory_space<vmem_shared>>
        tpu.wait_dma2 semaphore(%run_scoped3A : memref<!tpu.dma_semaphore, #tpu.memory_space<semaphore_mem>>) src(%dma_wait3A_63 : memref<400x128xf32, #tpu.memory_space<vmem_shared>>) dst(%dma_wait3A_60 : memref<400x128xf32, #tpu.memory_space<hbm>>)
        tpu.yield
      }) : () -> ()
    } else {
    }
    %eq3A_36 = arith.constant 1 : i32
    %eq3A_37 = arith.cmpi eq, %arg0, %eq3A_36 : i32
    %lt3A_38 = arith.constant 15 : i32
    %lt3A_39 = arith.cmpi slt, %arg1, %lt3A_38 : i32
    %and3A_40 = arith.andi %eq3A_37, %lt3A_39 : i1
    %convert_element_type3A_41 = arith.extui %and3A_40 : i1 to i32
    %cond3A_42 = arith.constant 0 : i32
    %cond3A_43 = arith.cmpi ne, %convert_element_type3A_41, %cond3A_42 : i32
    scf.if %cond3A_43 {
      %mul3A_52 = arith.constant 640 : i32
      %mul3A_53 = arith.muli %arg1, %mul3A_52 : i32
      %mul3A_54 = arith.constant 640 : i32
      %mul3A_55 = arith.muli %arg1, %mul3A_54 : i32
      "tpu.region"() ({
        %run_scoped3A = tpu.sem_alloc : memref<!tpu.dma_semaphore, #tpu.memory_space<semaphore_mem>>
        %dma_start3A_56 = arith.constant 0 : i32
        %dma_start3A_57 = tpu.memref_slice %arg7[%mul3A_55, %dma_start3A_56] : memref<10000x128xf32, #tpu.memory_space<hbm>> -> memref<640x128xf32, #tpu.memory_space<hbm>>
        %dma_start3A_58 = arith.constant 0 : i32
        %dma_start3A_59 = tpu.memref_slice %arg14[%mul3A_53, %dma_start3A_58] : memref<10000x128xf32, #tpu.memory_space<vmem_shared>> -> memref<640x128xf32, #tpu.memory_space<vmem_shared>>
        tpu.enqueue_dma source(%dma_start3A_59 : memref<640x128xf32, #tpu.memory_space<vmem_shared>>) target(%dma_start3A_57 : memref<640x128xf32, #tpu.memory_space<hbm>>) target_semaphore(%run_scoped3A : memref<!tpu.dma_semaphore, #tpu.memory_space<semaphore_mem>>)
        %dma_wait3A_60 = arith.constant 0 : i32
        %dma_wait3A_61 = tpu.memref_slice %arg7[%mul3A_55, %dma_wait3A_60] : memref<10000x128xf32, #tpu.memory_space<hbm>> -> memref<640x128xf32, #tpu.memory_space<hbm>>
        %dma_wait3A_62 = arith.constant 0 : i32
        %dma_wait3A_63 = tpu.memref_slice %arg14[%mul3A_53, %dma_wait3A_62] : memref<10000x128xf32, #tpu.memory_space<vmem_shared>> -> memref<640x128xf32, #tpu.memory_space<vmem_shared>>
        tpu.wait_dma2 semaphore(%run_scoped3A : memref<!tpu.dma_semaphore, #tpu.memory_space<semaphore_mem>>) src(%dma_wait3A_63 : memref<640x128xf32, #tpu.memory_space<vmem_shared>>) dst(%dma_wait3A_61 : memref<640x128xf32, #tpu.memory_space<hbm>>)
        tpu.yield
      }) : () -> ()
    } else {
    }
    %eq3A_44 = arith.constant 1 : i32
    %eq3A_45 = arith.cmpi eq, %arg0, %eq3A_44 : i32
    %eq3A_46 = arith.constant 15 : i32
    %eq3A_47 = arith.cmpi eq, %arg1, %eq3A_46 : i32
    %and3A_48 = arith.andi %eq3A_45, %eq3A_47 : i1
    %convert_element_type3A_49 = arith.extui %and3A_48 : i1 to i32
    %cond3A_50 = arith.constant 0 : i32
    %cond3A_51 = arith.cmpi ne, %convert_element_type3A_49, %cond3A_50 : i32
    scf.if %cond3A_51 {
      "tpu.region"() ({
        %run_scoped3A = tpu.sem_alloc : memref<!tpu.dma_semaphore, #tpu.memory_space<semaphore_mem>>
        %dma_start3A_52 = arith.constant 9600 : i32
        %dma_start3A_53 = arith.constant 0 : i32
        %dma_start3A_54 = tpu.memref_slice %arg7[%dma_start3A_52, %dma_start3A_53] : memref<10000x128xf32, #tpu.memory_space<hbm>> -> memref<400x128xf32, #tpu.memory_space<hbm>>
        %dma_start3A_55 = arith.constant 9600 : i32
        %dma_start3A_56 = arith.constant 0 : i32
        %dma_start3A_57 = tpu.memref_slice %arg14[%dma_start3A_55, %dma_start3A_56] : memref<10000x128xf32, #tpu.memory_space<vmem_shared>> -> memref<400x128xf32, #tpu.memory_space<vmem_shared>>
        tpu.enqueue_dma source(%dma_start3A_57 : memref<400x128xf32, #tpu.memory_space<vmem_shared>>) target(%dma_start3A_54 : memref<400x128xf32, #tpu.memory_space<hbm>>) target_semaphore(%run_scoped3A : memref<!tpu.dma_semaphore, #tpu.memory_space<semaphore_mem>>)
        %dma_wait3A_58 = arith.constant 9600 : i32
        %dma_wait3A_59 = arith.constant 0 : i32
        %dma_wait3A_60 = tpu.memref_slice %arg7[%dma_wait3A_58, %dma_wait3A_59] : memref<10000x128xf32, #tpu.memory_space<hbm>> -> memref<400x128xf32, #tpu.memory_space<hbm>>
        %dma_wait3A_61 = arith.constant 9600 : i32
        %dma_wait3A_62 = arith.constant 0 : i32
        %dma_wait3A_63 = tpu.memref_slice %arg14[%dma_wait3A_61, %dma_wait3A_62] : memref<10000x128xf32, #tpu.memory_space<vmem_shared>> -> memref<400x128xf32, #tpu.memory_space<vmem_shared>>
        tpu.wait_dma2 semaphore(%run_scoped3A : memref<!tpu.dma_semaphore, #tpu.memory_space<semaphore_mem>>) src(%dma_wait3A_63 : memref<400x128xf32, #tpu.memory_space<vmem_shared>>) dst(%dma_wait3A_60 : memref<400x128xf32, #tpu.memory_space<hbm>>)
        tpu.yield
      }) : () -> ()
    } else {
    }
    return
  }
}

module attributes {stable_mosaic.version = 14 : i64} {
  func.func @_mm_scale_body(%arg0: i32, %arg1: memref<1000x1xf32, #tpu.memory_space<vmem>>, %arg2: memref<1000x1xf32, #tpu.memory_space<vmem>>, %arg3: memref<1000x128xf32, #tpu.memory_space<vmem>>, %arg4: memref<128x128xf32, #tpu.memory_space<vmem>>, %arg5: memref<1000x128xf32, #tpu.memory_space<vmem>>) attributes {dimension_semantics = [#tpu.dimension_semantics<arbitrary>], iteration_bounds = array<i64: 10>, scalar_prefetch = 0 : i64, scratch_operands = 0 : i64, tpu.core_type = #tpu.core_type<tc>, window_params = [{transform_indices = @transform_0, window_bounds = array<i64: 1000, 1>}, {transform_indices = @transform_1, window_bounds = array<i64: 1000, 1>}, {transform_indices = @transform_2, window_bounds = array<i64: 1000, 128>}, {pipeline_mode = #tpu.pipeline_mode<synchronous>, transform_indices = @transform_3, window_bounds = array<i64: 128, 128>}, {transform_indices = @transform_4, window_bounds = array<i64: 1000, 128>}]} {
    %get3A = arith.constant 0 : index
    %get3A_0 = arith.constant 0 : index
    %get3A_1 = vector.load %arg1[%get3A, %get3A_0] : memref<1000x1xf32, #tpu.memory_space<vmem>>, vector<1000x1xf32>
    %get3A_2 = arith.constant 0 : index
    %get3A_3 = arith.constant 0 : index
    %get3A_4 = vector.load %arg2[%get3A_2, %get3A_3] : memref<1000x1xf32, #tpu.memory_space<vmem>>, vector<1000x1xf32>
    %add3A = arith.addf %get3A_1, %get3A_4 : vector<1000x1xf32>
    %add3A_5 = arith.constant 1.000000e+00 : f32
    %add3A_6 = vector.broadcast %add3A_5 : f32 to vector<1000x1xf32>
    %add3A_7 = arith.addf %add3A, %add3A_6 : vector<1000x1xf32>
    %rsqrt3A = math.rsqrt %add3A_7 : vector<1000x1xf32>
    %get3A_8 = arith.constant 0 : index
    %get3A_9 = arith.constant 0 : index
    %get3A_10 = vector.load %arg3[%get3A_8, %get3A_9] : memref<1000x128xf32, #tpu.memory_space<vmem>>, vector<1000x128xf32>
    %get3A_11 = arith.constant 0 : index
    %get3A_12 = arith.constant 0 : index
    %get3A_13 = vector.load %arg4[%get3A_11, %get3A_12] : memref<128x128xf32, #tpu.memory_space<vmem>>, vector<128x128xf32>
    %dot_general3A = arith.constant dense<0.000000e+00> : vector<1000x128xf32>
    %dot_general3A_14 = tpu.matmul %get3A_10, %get3A_13, %dot_general3A {dimension_numbers = #tpu.dot_dimension_numbers<[1], [0], [0], [1], [0, 0, 1, 1], [], []>, transpose_lhs_hint = false} : vector<1000x128xf32>, vector<128x128xf32>, vector<1000x128xf32> -> vector<1000x128xf32>
    %mul3A = vector.broadcast %rsqrt3A : vector<1000x1xf32> to vector<1000x128xf32>
    %mul3A_15 = arith.mulf %dot_general3A_14, %mul3A : vector<1000x128xf32>
    %swap3A = arith.constant 0 : index
    %swap3A_16 = arith.constant 0 : index
    %swap3A_17 = vector.load %arg5[%swap3A, %swap3A_16] : memref<1000x128xf32, #tpu.memory_space<vmem>>, vector<1000x128xf32>
    tpu.vector_store %arg5[%swap3A, %swap3A_16], %mul3A_15 {strides = array<i32>} : memref<1000x128xf32, #tpu.memory_space<vmem>>, vector<1000x128xf32>,
    return
  }
  func.func @transform_0(%arg0: i32) -> (i32, i32) {
    %c0_i32 = arith.constant 0 : i32
    %c0_i32_0 = arith.constant 0 : i32
    return %arg0, %c0_i32 : i32, i32
  }
  func.func @transform_1(%arg0: i32) -> (i32, i32) {
    %c0_i32 = arith.constant 0 : i32
    %c0_i32_0 = arith.constant 0 : i32
    return %arg0, %c0_i32 : i32, i32
  }
  func.func @transform_2(%arg0: i32) -> (i32, i32) {
    %c0_i32 = arith.constant 0 : i32
    %c0_i32_0 = arith.constant 0 : i32
    return %arg0, %c0_i32 : i32, i32
  }
  func.func @transform_3(%arg0: i32) -> (i32, i32) {
    %c0_i32 = arith.constant 0 : i32
    %c0_i32_0 = arith.constant 0 : i32
    %c0_i32_1 = arith.constant 0 : i32
    return %c0_i32, %c0_i32_0 : i32, i32
  }
  func.func @transform_4(%arg0: i32) -> (i32, i32) {
    %c0_i32 = arith.constant 0 : i32
    %c0_i32_0 = arith.constant 0 : i32
    return %arg0, %c0_i32 : i32, i32
  }
}

module attributes {stable_mosaic.version = 14 : i64} {
  func.func @_layer2_body(%arg0: i32, %arg1: memref<1000x1xf32, #tpu.memory_space<vmem>>, %arg2: memref<1000x1xf32, #tpu.memory_space<vmem>>, %arg3: memref<1000x128xf32, #tpu.memory_space<vmem>>, %arg4: memref<1000x128xf32, #tpu.memory_space<vmem>>, %arg5: memref<1000x128xf32, #tpu.memory_space<vmem>>, %arg6: memref<128xf32, #tpu.memory_space<vmem>>, %arg7: memref<128x128xf32, #tpu.memory_space<vmem>>, %arg8: memref<1000x128xf32, #tpu.memory_space<vmem>>) attributes {dimension_semantics = [#tpu.dimension_semantics<arbitrary>], iteration_bounds = array<i64: 10>, scalar_prefetch = 0 : i64, scratch_operands = 0 : i64, tpu.core_type = #tpu.core_type<tc>, window_params = [{transform_indices = @transform_0, window_bounds = array<i64: 1000, 1>}, {transform_indices = @transform_1, window_bounds = array<i64: 1000, 1>}, {transform_indices = @transform_2, window_bounds = array<i64: 1000, 128>}, {transform_indices = @transform_3, window_bounds = array<i64: 1000, 128>}, {transform_indices = @transform_4, window_bounds = array<i64: 1000, 128>}, {pipeline_mode = #tpu.pipeline_mode<synchronous>, transform_indices = @transform_5, window_bounds = array<i64: 128>}, {pipeline_mode = #tpu.pipeline_mode<synchronous>, transform_indices = @transform_6, window_bounds = array<i64: 128, 128>}, {transform_indices = @transform_7, window_bounds = array<i64: 1000, 128>}]} {
    %get3A = arith.constant 0 : index
    %get3A_0 = arith.constant 0 : index
    %get3A_1 = vector.load %arg1[%get3A, %get3A_0] : memref<1000x1xf32, #tpu.memory_space<vmem>>, vector<1000x1xf32>
    %get3A_2 = arith.constant 0 : index
    %get3A_3 = arith.constant 0 : index
    %get3A_4 = vector.load %arg2[%get3A_2, %get3A_3] : memref<1000x1xf32, #tpu.memory_space<vmem>>, vector<1000x1xf32>
    %add3A = arith.addf %get3A_1, %get3A_4 : vector<1000x1xf32>
    %add3A_5 = arith.constant 1.000000e+00 : f32
    %add3A_6 = vector.broadcast %add3A_5 : f32 to vector<1000x1xf32>
    %add3A_7 = arith.addf %add3A, %add3A_6 : vector<1000x1xf32>
    %rsqrt3A = math.rsqrt %add3A_7 : vector<1000x1xf32>
    %get3A_8 = arith.constant 0 : index
    %get3A_9 = arith.constant 0 : index
    %get3A_10 = vector.load %arg3[%get3A_8, %get3A_9] : memref<1000x128xf32, #tpu.memory_space<vmem>>, vector<1000x128xf32>
    %get3A_11 = arith.constant 0 : index
    %get3A_12 = arith.constant 0 : index
    %get3A_13 = vector.load %arg4[%get3A_11, %get3A_12] : memref<1000x128xf32, #tpu.memory_space<vmem>>, vector<1000x128xf32>
    %add3A_14 = arith.addf %get3A_10, %get3A_13 : vector<1000x128xf32>
    %get3A_15 = arith.constant 0 : index
    %get3A_16 = arith.constant 0 : index
    %get3A_17 = vector.load %arg5[%get3A_15, %get3A_16] : memref<1000x128xf32, #tpu.memory_space<vmem>>, vector<1000x128xf32>
    %add3A_18 = arith.addf %add3A_14, %get3A_17 : vector<1000x128xf32>
    %mul3A = vector.broadcast %rsqrt3A : vector<1000x1xf32> to vector<1000x128xf32>
    %mul3A_19 = arith.mulf %mul3A, %add3A_18 : vector<1000x128xf32>
    %get3A_20 = arith.constant 0 : index
    %get3A_21 = vector.load %arg6[%get3A_20] : memref<128xf32, #tpu.memory_space<vmem>>, vector<128xf32>
    %broadcast_in_dim3A = vector.shape_cast %get3A_21 : vector<128xf32> to vector<1x128xf32>
    %add3A_22 = vector.broadcast %broadcast_in_dim3A : vector<1x128xf32> to vector<1000x128xf32>
    %add3A_23 = arith.addf %mul3A_19, %add3A_22 : vector<1000x128xf32>
    %get3A_24 = arith.constant 0 : index
    %get3A_25 = arith.constant 0 : index
    %get3A_26 = vector.load %arg7[%get3A_24, %get3A_25] : memref<128x128xf32, #tpu.memory_space<vmem>>, vector<128x128xf32>
    %dot_general3A = arith.constant dense<0.000000e+00> : vector<1000x128xf32>
    %dot_general3A_27 = tpu.matmul %add3A_23, %get3A_26, %dot_general3A {dimension_numbers = #tpu.dot_dimension_numbers<[1], [0], [0], [1], [0, 0, 1, 1], [], []>, transpose_lhs_hint = false} : vector<1000x128xf32>, vector<128x128xf32>, vector<1000x128xf32> -> vector<1000x128xf32>
    %mul3A_28 = vector.broadcast %rsqrt3A : vector<1000x1xf32> to vector<1000x128xf32>
    %mul3A_29 = arith.mulf %dot_general3A_27, %mul3A_28 : vector<1000x128xf32>
    %swap3A = arith.constant 0 : index
    %swap3A_30 = arith.constant 0 : index
    %swap3A_31 = vector.load %arg8[%swap3A, %swap3A_30] : memref<1000x128xf32, #tpu.memory_space<vmem>>, vector<1000x128xf32>
    tpu.vector_store %arg8[%swap3A, %swap3A_30], %mul3A_29 {strides = array<i32>} : memref<1000x128xf32, #tpu.memory_space<vmem>>, vector<1000x128xf32>,
    return
  }
  func.func @transform_0(%arg0: i32) -> (i32, i32) {
    %c0_i32 = arith.constant 0 : i32
    %c0_i32_0 = arith.constant 0 : i32
    return %arg0, %c0_i32 : i32, i32
  }
  func.func @transform_1(%arg0: i32) -> (i32, i32) {
    %c0_i32 = arith.constant 0 : i32
    %c0_i32_0 = arith.constant 0 : i32
    return %arg0, %c0_i32 : i32, i32
  }
  func.func @transform_2(%arg0: i32) -> (i32, i32) {
    %c0_i32 = arith.constant 0 : i32
    %c0_i32_0 = arith.constant 0 : i32
    return %arg0, %c0_i32 : i32, i32
  }
  func.func @transform_3(%arg0: i32) -> (i32, i32) {
    %c0_i32 = arith.constant 0 : i32
    %c0_i32_0 = arith.constant 0 : i32
    return %arg0, %c0_i32 : i32, i32
  }
  func.func @transform_4(%arg0: i32) -> (i32, i32) {
    %c0_i32 = arith.constant 0 : i32
    %c0_i32_0 = arith.constant 0 : i32
    return %arg0, %c0_i32 : i32, i32
  }
  func.func @transform_5(%arg0: i32) -> i32 {
    %c0_i32 = arith.constant 0 : i32
    %c0_i32_0 = arith.constant 0 : i32
    return %c0_i32 : i32
  }
  func.func @transform_6(%arg0: i32) -> (i32, i32) {
    %c0_i32 = arith.constant 0 : i32
    %c0_i32_0 = arith.constant 0 : i32
    %c0_i32_1 = arith.constant 0 : i32
    return %c0_i32, %c0_i32_0 : i32, i32
  }
  func.func @transform_7(%arg0: i32) -> (i32, i32) {
    %c0_i32 = arith.constant 0 : i32
    %c0_i32_0 = arith.constant 0 : i32
    return %arg0, %c0_i32 : i32, i32
  }
}

module attributes {stable_mosaic.version = 14 : i64} {
  func.func @_final_body(%arg0: i32, %arg1: memref<1000x1xf32, #tpu.memory_space<vmem>>, %arg2: memref<1000x1xf32, #tpu.memory_space<vmem>>, %arg3: memref<1000x128xf32, #tpu.memory_space<vmem>>, %arg4: memref<1000x128xf32, #tpu.memory_space<vmem>>, %arg5: memref<1000x128xf32, #tpu.memory_space<vmem>>, %arg6: memref<128xf32, #tpu.memory_space<vmem>>, %arg7: memref<1000x128xf32, #tpu.memory_space<vmem>>) attributes {dimension_semantics = [#tpu.dimension_semantics<arbitrary>], iteration_bounds = array<i64: 10>, scalar_prefetch = 0 : i64, scratch_operands = 0 : i64, tpu.core_type = #tpu.core_type<tc>, window_params = [{transform_indices = @transform_0, window_bounds = array<i64: 1000, 1>}, {transform_indices = @transform_1, window_bounds = array<i64: 1000, 1>}, {transform_indices = @transform_2, window_bounds = array<i64: 1000, 128>}, {transform_indices = @transform_3, window_bounds = array<i64: 1000, 128>}, {transform_indices = @transform_4, window_bounds = array<i64: 1000, 128>}, {pipeline_mode = #tpu.pipeline_mode<synchronous>, transform_indices = @transform_5, window_bounds = array<i64: 128>}, {transform_indices = @transform_6, window_bounds = array<i64: 1000, 128>}]} {
    %get3A = arith.constant 0 : index
    %get3A_0 = arith.constant 0 : index
    %get3A_1 = vector.load %arg1[%get3A, %get3A_0] : memref<1000x1xf32, #tpu.memory_space<vmem>>, vector<1000x1xf32>
    %get3A_2 = arith.constant 0 : index
    %get3A_3 = arith.constant 0 : index
    %get3A_4 = vector.load %arg2[%get3A_2, %get3A_3] : memref<1000x1xf32, #tpu.memory_space<vmem>>, vector<1000x1xf32>
    %add3A = arith.addf %get3A_1, %get3A_4 : vector<1000x1xf32>
    %add3A_5 = arith.constant 1.000000e+00 : f32
    %add3A_6 = vector.broadcast %add3A_5 : f32 to vector<1000x1xf32>
    %add3A_7 = arith.addf %add3A, %add3A_6 : vector<1000x1xf32>
    %rsqrt3A = math.rsqrt %add3A_7 : vector<1000x1xf32>
    %get3A_8 = arith.constant 0 : index
    %get3A_9 = arith.constant 0 : index
    %get3A_10 = vector.load %arg3[%get3A_8, %get3A_9] : memref<1000x128xf32, #tpu.memory_space<vmem>>, vector<1000x128xf32>
    %get3A_11 = arith.constant 0 : index
    %get3A_12 = arith.constant 0 : index
    %get3A_13 = vector.load %arg4[%get3A_11, %get3A_12] : memref<1000x128xf32, #tpu.memory_space<vmem>>, vector<1000x128xf32>
    %add3A_14 = arith.addf %get3A_10, %get3A_13 : vector<1000x128xf32>
    %get3A_15 = arith.constant 0 : index
    %get3A_16 = arith.constant 0 : index
    %get3A_17 = vector.load %arg5[%get3A_15, %get3A_16] : memref<1000x128xf32, #tpu.memory_space<vmem>>, vector<1000x128xf32>
    %add3A_18 = arith.addf %add3A_14, %get3A_17 : vector<1000x128xf32>
    %mul3A = vector.broadcast %rsqrt3A : vector<1000x1xf32> to vector<1000x128xf32>
    %mul3A_19 = arith.mulf %mul3A, %add3A_18 : vector<1000x128xf32>
    %get3A_20 = arith.constant 0 : index
    %get3A_21 = vector.load %arg6[%get3A_20] : memref<128xf32, #tpu.memory_space<vmem>>, vector<128xf32>
    %broadcast_in_dim3A = vector.shape_cast %get3A_21 : vector<128xf32> to vector<1x128xf32>
    %add3A_22 = vector.broadcast %broadcast_in_dim3A : vector<1x128xf32> to vector<1000x128xf32>
    %add3A_23 = arith.addf %mul3A_19, %add3A_22 : vector<1000x128xf32>
    %swap3A = arith.constant 0 : index
    %swap3A_24 = arith.constant 0 : index
    %swap3A_25 = vector.load %arg7[%swap3A, %swap3A_24] : memref<1000x128xf32, #tpu.memory_space<vmem>>, vector<1000x128xf32>
    tpu.vector_store %arg7[%swap3A, %swap3A_24], %add3A_23 {strides = array<i32>} : memref<1000x128xf32, #tpu.memory_space<vmem>>, vector<1000x128xf32>,
    return
  }
  func.func @transform_0(%arg0: i32) -> (i32, i32) {
    %c0_i32 = arith.constant 0 : i32
    %c0_i32_0 = arith.constant 0 : i32
    return %arg0, %c0_i32 : i32, i32
  }
  func.func @transform_1(%arg0: i32) -> (i32, i32) {
    %c0_i32 = arith.constant 0 : i32
    %c0_i32_0 = arith.constant 0 : i32
    return %arg0, %c0_i32 : i32, i32
  }
  func.func @transform_2(%arg0: i32) -> (i32, i32) {
    %c0_i32 = arith.constant 0 : i32
    %c0_i32_0 = arith.constant 0 : i32
    return %arg0, %c0_i32 : i32, i32
  }
  func.func @transform_3(%arg0: i32) -> (i32, i32) {
    %c0_i32 = arith.constant 0 : i32
    %c0_i32_0 = arith.constant 0 : i32
    return %arg0, %c0_i32 : i32, i32
  }
  func.func @transform_4(%arg0: i32) -> (i32, i32) {
    %c0_i32 = arith.constant 0 : i32
    %c0_i32_0 = arith.constant 0 : i32
    return %arg0, %c0_i32 : i32, i32
  }
  func.func @transform_5(%arg0: i32) -> i32 {
    %c0_i32 = arith.constant 0 : i32
    %c0_i32_0 = arith.constant 0 : i32
    return %c0_i32 : i32
  }
  func.func @transform_6(%arg0: i32) -> (i32, i32) {
    %c0_i32 = arith.constant 0 : i32
    %c0_i32_0 = arith.constant 0 : i32
    return %arg0, %c0_i32 : i32, i32
  }
}

</mosaic_0001>

<sc_bundles>
// kernel: kernel.11.cloned.1.call-start
scs
__scs_entry_jumppad:
0x0: {  	(pc) =	sbr.rel $0x88, $3  }
0x1: {  	(tag) =	ssettag $0x0;
	lr =	simm.s32 $0x1  }
0x2: {  	[smem:$0x3F9B] =	sst lr;
	_ =	strace $0xD0000000  }
0x3: {  	_ = 	snop  }
0x4: {  	_ = 	snop  }
0x5: {  	_ = 	snop  }
0x6: {  	_ = 	snop  }
0x7: {  	_ = 	snop  }
__scs_overlays_trampoline_lowered:
0x8: {  	[smem:$0x3FAA] =	sst s0  }
0x9: {  	[smem:$0x3FAB] =	sst s1  }
0xa: {  	[smem:$0x3FAC] =	sst s2  }
0xb: {  	[smem:$0x3FAD] =	sst s3  }
0xc: {  	[smem:$0x3FAE] =	sst s4  }
0xd: {  	[smem:$0x3FAF] =	sst s5  }
0xe: {  	[smem:$0x3FB0] =	sst s6  }
0xf: {  	[smem:$0x3FB1] =	sst s7  }
0x10: {  	[smem:$0x3FB2] =	sst s8  }
0x11: {  	[smem:$0x3FB3] =	sst s9;
	s0 =	simm.s32 @!p0 $0x0  }
0x12: {  	s1 =	sld [smem:$0x3F99];
	s0 =	simm.s32 @p0 $0x1  }
0x13: {  	[smem:$0x3FB4] =	sst s0;
	s0 =	simm.s32 @!p1 $0x0  }
0x14: {  	s2 =	sld [smem:$0x3F98];
	s0 =	simm.s32 @p1 $0x1  }
0x15: {  	[smem:$0x3FB5] =	sst s0;
	s0 =	simm.s32 @!p2 $0x0  }
0x16: {  	s3 =	sld [smem:$0x3FDB];
	s0 =	simm.s32 @p2 $0x1  }
0x17: {  	s4 =	simm.s32 $0x1BF5;
	[smem:$0x3FB7] =	sst s0  }
0x18: {  	s0 =	sld [smem:$0x3F9A];
	_ =	swait.ge [sflag:s4], $0x0  }
0x19: {  	s7 =	sld [smem:$0x3F9B]  }
0x1a: {  	s8 =	sadd.s32 $0xFFFFE003, lr  }
0x1b: {  	s9 =	sadd.s32 $0xFFFFFEF7, lr;
	s5 =	simm.s32 $0xFFFFFFFF;
	p2 =	slt.u32 s8, $0xFFFFF086  }
0x1c: {  	p1 =	slt.u32 s9, $0xF7A;
	s5 =	simm.s32 @!p2 $0x0  }
0x1d: {  	s5 =	simm.s32 @p1 $0x1;
	p0 =	seq.s32 s7, s2  }
0x1e: {  	s7 =	smul.u32 @!p0 $0xF7A, s2;
	p2 =	seq.s32 @!p0 s5, $0x0  }
0x1f: {  	s9 =	smul.u32 $0xF7A, s1;
	s8 =	simm.s32 @!p0 $0x1BF5;
	p2 =	por !p2, p0  }
0x20: {  	[sflag:s8] =	ssyncset.s32 @!p0 $0xFFFFF086;
	s6 =	sadd.s32 @!p0 s3, s7;
	s7 =	simm.s32 @!p0 $0x108  }
0x21: {  	s3 =	sadd.s32 s3, s9;
	s6 =	sadd.s32 @!p0 $0x88, s6;
	s7 =	simm.s32 @p2 $0x1082  }
0x22: {  	[simem:s7], [sflag:s8] =	dma.local @!p0 [hbm:s6], $0xF7A  }
0x23: {  	s9 =	sor.u32 $0xD0000000, s2;
	s6 =	simm.s32 $0x108;
	_ =	swait.ge @!p0 [sflag:s8], $0x0  }
0x24: {  	s3 =	sadd.s32 $0x88, s3;
	s6 =	simm.s32 @!p1 $0x1082;
	[sflag:s4] =	ssyncset.s32 $0xFFFFF086  }
0x25: {  	[simem:s6], [sflag:s4] =	dma.local [hbm:s3], $0xF7A  }
0x26: {  	[smem:$0x3F9B] =	sst s1;
	(tag) =	ssettag s2;
	_ =	strace s9  }
0x27: {  	s1 =	sld [smem:$0x3FAB]  }
0x28: {  	s2 =	sld [smem:$0x3FAC]  }
0x29: {  	s4 =	sld [smem:$0x3FAE]  }
0x2a: {  	p0 =	seq.s32 s5, $0x0;
	s5 =	sld [smem:$0x3FAF]  }
0x2b: {  	s6 =	sld [smem:$0x3FB0]  }
0x2c: {  	s7 =	sld [smem:$0x3FB1]  }
0x2d: {  	s3 =	simm.s32 $0x108;
	s8 =	sld [smem:$0x3FB2]  }
0x2e: {  	s3 =	simm.s32 @!p0 $0x1082;
	s9 =	sld [smem:$0x3FB3]  }
0x2f: {  	lr =	sadd.s32 s0, s3;
	s0 =	sld [smem:$0x3FAA]  }
0x30: {  	s3 =	sld [smem:$0x3FAD]  }
0x31: {  	[smem:$0x3FB6] =	sst s10  }
0x32: {  	s10 =	sld [smem:$0x3FB4];
	_ =	sdelay $0x3  }
0x33: {  	p0 =	seq.s32 s10, $0x1;
	s10 =	sld [smem:$0x3FB6];
	_ =	sdelay $0x3  }
0x34: {  	[smem:$0x3FB6] =	sst s10  }
0x35: {  	s10 =	sld [smem:$0x3FB5];
	_ =	sdelay $0x3  }
0x36: {  	p1 =	seq.s32 s10, $0x1;
	s10 =	sld [smem:$0x3FB6];
	_ =	sdelay $0x3  }
0x37: {  	[smem:$0x3FB6] =	sst s10  }
0x38: {  	s10 =	sld [smem:$0x3FB7]  }
0x39: {  	_ = 	snop;
	(pc) =	sbr.ind lr, $3  }
0x3a: {  	_ = 	snop  }
0x3b: {  	_ = 	snop  }
0x3c: {  	p2 =	seq.s32 s10, $0x1;
	s10 =	sld [smem:$0x3FB6]  }
0x3d: {  	_ =	shalt  }
0x3e: {  	_ =	shalt  }
0x3f: {  	_ =	shalt  }
0x40: {  	_ =	shalt  }
0x41: {  	_ =	shalt  }
0x42: {  	_ =	shalt  }
0x43: {  	_ =	shalt  }
0x44: {  	_ =	shalt  }
0x45: {  	_ =	shalt  }
0x46: {  	_ =	shalt  }
0x47: {  	_ =	shalt  }
0x48: {  	_ =	shalt  }
0x49: {  	_ =	shalt  }
0x4a: {  	_ =	shalt  }
0x4b: {  	_ =	shalt  }
0x4c: {  	_ =	shalt  }
0x4d: {  	_ =	shalt  }
0x4e: {  	_ =	shalt  }
0x4f: {  	_ =	shalt  }
0x50: {  	_ =	shalt  }
0x51: {  	_ =	shalt  }
0x52: {  	_ =	shalt  }
0x53: {  	_ =	shalt  }
0x54: {  	_ =	shalt  }
0x55: {  	_ =	shalt  }
0x56: {  	_ =	shalt  }
0x57: {  	_ =	shalt  }
0x58: {  	_ =	shalt  }
0x59: {  	_ =	shalt  }
0x5a: {  	_ =	shalt  }
0x5b: {  	_ =	shalt  }
0x5c: {  	_ =	shalt  }
0x5d: {  	_ =	shalt  }
0x5e: {  	_ =	shalt  }
0x5f: {  	_ =	shalt  }
0x60: {  	_ =	shalt  }
0x61: {  	_ =	shalt  }
0x62: {  	_ =	shalt  }
0x63: {  	_ =	shalt  }
0x64: {  	_ =	shalt  }
0x65: {  	_ =	shalt  }
0x66: {  	_ =	shalt  }
0x67: {  	_ =	shalt  }
0x68: {  	_ =	shalt  }
0x69: {  	_ =	shalt  }
0x6a: {  	_ =	shalt  }
0x6b: {  	_ =	shalt  }
0x6c: {  	_ =	shalt  }
0x6d: {  	_ =	shalt  }
0x6e: {  	_ =	shalt  }
0x6f: {  	_ =	shalt  }
0x70: {  	_ =	shalt  }
0x71: {  	_ =	shalt  }
0x72: {  	_ =	shalt  }
0x73: {  	_ =	shalt  }
0x74: {  	_ =	shalt  }
0x75: {  	_ =	shalt  }
0x76: {  	_ =	shalt  }
0x77: {  	_ =	shalt  }
0x78: {  	_ =	shalt  }
0x79: {  	_ =	shalt  }
0x7a: {  	_ =	shalt  }
0x7b: {  	_ =	shalt  }
0x7c: {  	_ =	shalt  }
0x7d: {  	_ =	shalt  }
0x7e: {  	_ =	shalt  }
0x7f: {  	_ =	shalt  }
0x80: {  	_ =	shalt  }
0x81: {  	_ =	shalt  }
0x82: {  	_ =	shalt  }
0x83: {  	_ =	shalt  }
0x84: {  	_ =	shalt  }
0x85: {  	_ =	shalt  }
0x86: {  	_ =	shalt  }
0x87: {  	_ =	shalt  }
.Lfunc_end0:
.L_simem_size_0:
called_computation.1_lowered:
.L_overlay_start_0:
0x88: {  	s2 =	sld [smem:$0x3FD9]  }
0x89: {  	s3 =	sld [smem:$0x3FFE];
	_ =	sdelay $0x1  }
0x8a: {  	s1 =	srdreg.scid  }
0x8b: {  	s0 =	sand.u32 $0x1, s1  }
0x8c: {  	s17 =	sshll.u32 s0, $0xA;
	s2 =	sadd.s32 s3, s2  }
0x8d: {  	s2 =	sadd.s32 s2, s17  }
0x8e: {  	[smem:$0x3FC2] =	sst s2  }
0x8f: {  	_ = 	snop  }
0x90: {  	s2 =	sld [smem:$0x3FD0];
	(tm) =	ssettm $0x1  }
0x91: {  	s18 =	sld [smem:$0x3FFB];
	_ =	sdelay $0x3  }
0x92: {  	_ =	strace s18  }
0x93: {  	s3 =	sld [smem:$0x3FFC];
	_ =	sdelay $0x3  }
0x94: {  	_ =	strace s3  }
0x95: {  	s3 =	sld [smem:$0x3FFD];
	_ =	sdelay $0x3  }
0x96: {  	_ =	strace s3  }
0x97: {  	_ =	strace $0x8FFFFFFF  }
0x98: {  	s19 =	sld [smem:$0x3FDB];
	_ =	sdelay $0x1  }
0x99: {  	s4 =	simm.s32 $_scs_section_size  }
0x9a: {  	s5 =	simm.s32 $_size__tile_overlayer_lowered;
	s6 =	simm.s32 $_tile_overlayer_lowered  }
0x9b: {  	s22 =	simm.s32 $0x1BFF;
	s21 =	sshll.u32 s6, $0x1;
	s3 =	sadd.s32 s4, s19  }
0x9c: {  	s7 =	simm.s32 $0x0;
	s20 =	sshll.u32 s5, $0x1;
	s5 =	sadd.s32 s21, s3  }
0x9d: {  	[timem:s7], [sflag:s22] =	dma.local [hbm:s5], s20  }
0x9e: {  	_ =	swait.ge [sflag:s22], s20  }
0x9f: {  	s4 =	ssub.s32 $0x0, s20;
	[sflag:s22] =	ssyncset.done $0x0  }
0xa0: {  	[sflag:s22] =	ssyncadd.s32 s4;
	_ =	sdelay $0x1  }
0xa1: {  	s23 =	simm.s32 $0x1B8B  }
0xa2: {  	_ =	swait.ge [sflag:s23], $0x1  }
0xa3: {  	[sflag:s23] =	ssyncset.done $0x0  }
0xa4: {  	s25 =	simm.s32 $0x1B8E;
	s24 =	sld [smem:$0x3FFE];
	[sflag:s23] =	ssyncadd.s32 $0xFFFFFFFF  }
0xa5: {  	s26 =	simm.s32 $execute0_lowered;
	[smem:$0x3FD2] =	sst s25  }
0xa6: {  	s5 =	sshll.u32 s26, $0x1;
	_ =	strace $0x80000049;
	[dreg:$0x1] =	wrdreg $0xFFFFFFFF  }
0xa7: {  	s28 =	simm.s32 $_size_execute0_lowered;
	s3 =	sadd.s32 s3, s5;
	[dreg:$0x0] =	wrdreg $0x0  }
0xa8: {  	s5 =	sshll.u32 s28, $0x1;
	[dreg:$0x2] =	wrdreg s3  }
0xa9: {  	[dreg:$0x3] =	wrdreg s5  }
0xaa: {  	[dreg:$0x4] =	wrdreg $0xC0  }
0xab: {  	_ =	task [dreg:s7], $0x5FFFF  }
0xac: {  	[dreg:$0x1] =	wrdreg $0xFFFFFFFF  }
0xad: {  	[dreg:$0x0] =	wrdreg $0x60  }
0xae: {  	[dreg:$0x2] =	wrdreg s2  }
0xaf: {  	[dreg:$0x3] =	wrdreg s24  }
0xb0: {  	[dreg:$0x4] =	wrdreg $0x4A000  }
0xb1: {  	[dreg:$0x5] =	wrdreg $0x9  }
0xb2: {  	_ =	task.clear_ibuf [dreg:s7], $0x6FFFF;
	_ =	strace $0x90000049  }
0xb3: {  	s29 =	simm.s32 $0x9;
	_ =	strace $0x8000004B  }
0xb4: {  	_ =	swait.ge [sflag:s29], $0x1  }
0xb5: {  	[sflag:s29] =	ssyncadd.s32 $0xFFFFFFFF  }
0xb6: {  	_ =	strace $0x9000004B  }
0xb7: {  	_ =	sfence  }
0xb8: {  	s30 =	sld [smem:$0x0];
	_ =	sdelay $0x2  }
0xb9: {  	s31 =	sshll.u32 s1, $0xD;
	s1 =	sshrl.u32 s1, $0x2  }
0xba: {  	s3 =	sand.u32 $0x4000, s31;
	s1 =	sadd.s32 s1, s30  }
0xbb: {  	s0 =	sor.u32 s3, s0;
	s1 =	sshll.u32 s1, $0x11  }
0xbc: {  	s0 =	sor.u32 s1, s0  }
0xbd: {  	s0 =	sadd.s32 $0x8F2B, s0  }
0xbe: {  	[sflag:s0] =	ssyncadd.remote.s32 $0x1  }
0xbf: {  	_ =	sfence.sel $0xFFFF  }
0xc0: {  	[dreg:$0x0] =	wrdreg $0xFFFFFFFF;
	(pc) =	sbr.abs _section_cstart, $3  }
0xc1: {  	[dreg:$0x1] =	wrdreg $0xFFFFFFFF  }
0xc2: {  	_ =	task.clear_ibuf [dreg:s7], $0x2FFFF;
	_ =	strace $0x9FFFFFFF  }
0xc3: {  	(tm) =	ssettm $0x7FFFFFFF  }
tec
execute0_lowered:
.L_overlay_start_1:
0x0: {  	(tag) =	ssettag $0x1  }
0x1: {  	s1 =	rddreg [dreg:$0x0]  }
0x2: {  	s0 =	rddreg [dreg:$0x1]  }
0x3: {  	s2 =	rddreg [dreg:$0x2]  }
0x4: {  	s3 =	simm.s32 $0x0;
	s6 =	srdreg.scid;
	s4 =	stileid.u32  }
0x5: {  	s20 =	simm.s32 $0x2;
	s21 =	simm.s32 $0x80;
	s22 =	simm.s32 $0x200  }
0x6: {  	s23 =	simm.s32 $0x1;
	s28 =	simm.s32 $0x4200;
	s30 =	simm.s32 $0x0  }
0x7: {  	[smem:$0x7FF] =	sst s3;
	s16 =	sadd.s32 $0x4400, s0;
	s15 =	sadd.s32 $0xE200, s0  }
0x8: {  	s5 =	sadd.s32 $0x68000, s0;
	s13 =	sand.u32 $0x1, s6;
	s24 =	sadd.s32 $0x6A800, s0  }
0x9: {  	s7 =	sshll.u32 s4, $0x1;
	s11 =	smul.u32 $0x50000, s4;
	s25 =	sadd.s32 $0x91A00, s0  }
0xa: {  	p0 =	seq.s32 s4, $0xF;
	p4 =	sne.s32 s4, $0xF;
	s14 =	smul.u32 $0x2800, s4  }
0xb: {  	s19 =	sadd.s32 $0x12C000, s2;
	s17 =	smul.u32 $0x4E20, s4;
	_ =	strace $0x8000004A  }
0xc: {  	s8 =	ssub.s32 $0x2, s13;
	s10 =	sor.u32 s13, s7;
	[dreg:$0x4] =	wrdreg s24  }
0xd: {  	p2 =	seq.s32 s13, $0x0;
	s18 =	smul.u32 $0x2710, s13;
	[dreg:$0x5] =	wrdreg s25  }
0xe: {  	s0 =	sshll.u32 @!p0 s4, $0x6;
	s9 =	sshrl.u32 s8, $0x1;
	s10 =	smul.u32 $0x2710, s10  }
0xf: {  	s29 =	sshrl.u32 s11, $0x2;
	p1 =	por !p2, !p4;
	s12 =	sadd.s32 s24, s14  }
0x10: {  	p3 =	por !p2, !p0;
	p2 =	seq.s32 s13, $0x1;
	s13 =	sadd.s32 s25, s14  }
0x11: {  	s24 =	simm.s32 $0x100;
	s25 =	simm.s32 $0x180;
	s26 =	ssub.s32 s8, s9  }
0x12: {  	s9 =	sadd.s32 s29, s2;
	p1 =	por !p1, !p1;
	p3 =	por !p3, !p3  }
0x13: {  	p4 =	por !p4, !p2;
	s17 =	sadd.s32 s18, s17;
	s8 =	smov.u32 s19  }
.Ltmp0:
0x14: {  	s18 =	sor.u32 @!p0 $0x1C02, s0;
	s10 =	sshrl.u32 s10, $0x3;
	(pc) =	sbr.rel .LBB2_1-.Ltmp0, $4  }
0x15: {  	p4 =	por !p4, !p4;
	s17 =	sshrl.u32 s17, $0x3;
	s14 =	smax.u32 s26, $0x1  }
0x16: {  	s26 =	simm.s32 $0x10;
	s31 =	sadd.s32 $0x4E0, s10;
	p4 =	por !p4, p3  }
0x17: {  	s10 =	sadd.s32 s16, s31;
	s11 =	sadd.s32 s15, s31;
	s15 =	sadd.s32 s17, s15  }
0x18: {  	s16 =	sadd.s32 s17, s16;
	s17 =	sshrl.u32 @p0 s19, $0x3;
	s19 =	sshrl.u32 @!p0 s9, $0x3  }
.LBB2_5:
0x19: {  	s30 =	sadd.s32 $0x1, s30  }
0x1a: {  	p5 =	sne.s32 s30, s14  }
.Ltmp1:
0x1b: {  	_ = 	snop;
	(pc) =	sbr.rel @!p5 .LBB2_6-.Ltmp1, $1  }
0x1c: {  	_ =	sdelay $0x3  }
.LBB2_1:
0x1d: {  	s0 =	simm.s32 @p0 $0x1FC2  }
0x1e: {  	[spmem:s17], [sflag:s0] =	dma.local @p0 [hbm:s5], $0x1900  }
0x1f: {  	s0 =	simm.s32 @p0 $0x2  }
0x20: {  	_ =	swait.ge @p0 [sflag:s0], $0x1900  }
0x21: {  	[sflag:s0] =	ssyncset.done @p0 $0x0  }
0x22: {  	[sflag:s0] =	ssyncadd.s32 @p0 $0xFFFFE700;
	s0 =	simm.s32 @!p0 $0x2  }
0x23: {  	[spmem:s19], [sflag:s18] =	dma.local @!p0 [hbm:s5], $0x2800  }
0x24: {  	_ =	swait.ge @!p0 [sflag:s0], $0x2800  }
0x25: {  	[sflag:s0] =	ssyncset.done @!p0 $0x0  }
0x26: {  	[sflag:s0] =	ssyncadd.s32 @!p0 $0xFFFFD800  }
0x27: {  	s7 =	sadd.s32 $0x0, s16;
	[bflag:$0x0] =	sbarrier.arrive $0xFFFF  }
0x28: {  	[tilespmem:s3], [sflag:$0x2] =	stream.linear.gather [hbm4b:s7+s3], $0x80, $0x38;
	[tilespmem:$0x18280] =	vst v63  }
0x29: {  	_ =	swait.ge [sflag:s20], $0x80  }
0x2a: {  	[sflag:s20] =	ssyncset.done $0x0  }
0x2b: {  	s29 =	sadd.s32 $0x0, s15;
	[sflag:s20] =	ssyncadd.s32 $0xFFFFFF80  }
0x2c: {  	[tilespmem:s21], [sflag:$0x2] =	stream.linear.gather [hbm4b:s29+s3], $0x80, $0x38;
	[tilespmem:$0x18280] =	vst v63  }
0x2d: {  	_ =	swait.ge [sflag:s20], $0x80  }
0x2e: {  	[sflag:s20] =	ssyncset.done $0x0  }
0x2f: {  	[sflag:s20] =	ssyncadd.s32 $0xFFFFFF80  }
0x30: {  	[tilespmem:s22], [sflag:$0x1] =	stream.indirect.gather [hbm4b:s1+s21], $0x80, s3, s21, $0xb8;
	[tilespmem:$0x18280] =	vst v63  }
0x31: {  	_ =	swait.ge [sflag:s23], $0x4000  }
0x32: {  	[sflag:s23] =	ssyncset.done $0x0  }
0x33: {  	[sflag:s23] =	ssyncadd.s32 $0xFFFFC000  }
0x34: {  	[spmem:s2] =	stream.indirect.scatter.add.f32 [tilespmem:s22], [sflag:$0x2], $0x80, s21, s21, $0xb8;
	[tilespmem:$0x18280] =	vst v63  }
0x35: {  	_ =	swait.ge [sflag:s20], $0x4000  }
0x36: {  	s31 =	simm.s32 $0x10;
	s0 =	simm.s32 $0x20;
	[sflag:s20] =	ssyncset.done $0x0  }
.LBB2_2:
0x37: {  	s29 =	sadd.s32 s31, s16  }
0x38: {  	[sflag:s20] =	ssyncadd.s32 $0xFFFFC000;
	s6 =	smov.u32 s0;
	s7 =	sadd.s32 $0x10, s0  }
0x39: {  	[tilespmem:s3], [sflag:$0x2] =	stream.linear.gather [hbm4b:s29+s3], $0x80, $0x38;
	[tilespmem:$0x18280] =	vst v63  }
0x3a: {  	p5 =	sne.s32 s0, $0x4D0;
	_ =	swait.ge [sflag:s20], $0x80  }
0x3b: {  	[sflag:s20] =	ssyncset.done $0x0  }
0x3c: {  	s0 =	sadd.s32 s31, s15;
	s31 =	smov.u32 s6;
	[sflag:s20] =	ssyncadd.s32 $0xFFFFFF80  }
0x3d: {  	[tilespmem:s21], [sflag:$0x2] =	stream.linear.gather [hbm4b:s0+s3], $0x80, $0x38;
	[tilespmem:$0x18280] =	vst v63  }
0x3e: {  	_ =	swait.ge [sflag:s20], $0x80  }
0x3f: {  	[sflag:s20] =	ssyncset.done $0x0  }
0x40: {  	[sflag:s20] =	ssyncadd.s32 $0xFFFFFF80  }
0x41: {  	[tilespmem:s22], [sflag:$0x1] =	stream.indirect.gather [hbm4b:s1+s21], $0x80, s3, s21, $0xb8;
	[tilespmem:$0x18280] =	vst v63  }
0x42: {  	_ =	swait.ge [sflag:s23], $0x4000  }
.Ltmp2:
0x43: {  	[sflag:s23] =	ssyncset.done $0x0;
	(pc) =	sbr.rel @p5 .LBB2_2-.Ltmp2, $4  }
0x44: {  	[sflag:s23] =	ssyncadd.s32 $0xFFFFC000  }
0x45: {  	[spmem:s2] =	stream.indirect.scatter.add.f32 [tilespmem:s22], [sflag:$0x2], $0x80, s21, s21, $0xb8;
	[tilespmem:$0x18280] =	vst v63  }
0x46: {  	_ =	swait.ge [sflag:s20], $0x4000  }
0x47: {  	s0 =	smov.u32 s7;
	[sflag:s20] =	ssyncset.done $0x0  }
0x48: {  	s0 =	sadd.s32 s31, s16;
	[sflag:s20] =	ssyncadd.s32 $0xFFFFC000  }
0x49: {  	[tilespmem:s3], [sflag:$0x2] =	stream.linear.gather [hbm4b:s0+s3], $0x80, $0x38;
	[tilespmem:$0x18280] =	vst v63  }
0x4a: {  	_ =	swait.ge [sflag:s20], $0x80  }
0x4b: {  	[sflag:s20] =	ssyncset.done $0x0  }
0x4c: {  	s31 =	sadd.s32 s31, s15;
	[sflag:s20] =	ssyncadd.s32 $0xFFFFFF80  }
0x4d: {  	[tilespmem:s21], [sflag:$0x2] =	stream.linear.gather [hbm4b:s31+s3], $0x80, $0x38;
	[tilespmem:$0x18280] =	vst v63  }
0x4e: {  	_ =	swait.ge [sflag:s20], $0x80  }
0x4f: {  	[sflag:s20] =	ssyncset.done $0x0  }
0x50: {  	[sflag:s20] =	ssyncadd.s32 $0xFFFFFF80  }
0x51: {  	[tilespmem:s22], [sflag:$0x1] =	stream.indirect.gather [hbm4b:s1+s21], $0x80, s3, s21, $0xb8;
	[tilespmem:$0x18280] =	vst v63  }
0x52: {  	_ =	swait.ge [sflag:s23], $0x4000  }
0x53: {  	[sflag:s23] =	ssyncset.done $0x0  }
0x54: {  	[sflag:s23] =	ssyncadd.s32 $0xFFFFC000  }
0x55: {  	[spmem:s2] =	stream.indirect.scatter.add.f32 [tilespmem:s22], [sflag:$0x2], $0x80, s21, s21, $0xb8;
	[tilespmem:$0x18280] =	vst v63  }
0x56: {  	_ =	swait.ge [sflag:s20], $0x4000  }
0x57: {  	[sflag:s20] =	ssyncset.done $0x0  }
0x58: {  	[sflag:s20] =	ssyncadd.s32 $0xFFFFC000  }
0x59: {  	[tilespmem:s24], [sflag:$0x2] =	stream.linear.gather [hbm4b:s10+s3], $0x10, $0x38;
	[tilespmem:$0x18280] =	vst v63  }
0x5a: {  	_ =	swait.ge [sflag:s20], $0x10  }
0x5b: {  	[sflag:s20] =	ssyncset.done $0x0  }
0x5c: {  	[sflag:s20] =	ssyncadd.s32 $0xFFFFFFF0  }
0x5d: {  	[tilespmem:s25], [sflag:$0x2] =	stream.linear.gather [hbm4b:s11+s3], $0x10, $0x38;
	[tilespmem:$0x18280] =	vst v63  }
0x5e: {  	_ =	swait.ge [sflag:s20], $0x10  }
0x5f: {  	[sflag:s20] =	ssyncset.done $0x0  }
0x60: {  	[sflag:s20] =	ssyncadd.s32 $0xFFFFFFF0  }
0x61: {  	[tilespmem:s28], [sflag:$0x1] =	stream.indirect.gather [hbm4b:s1+s26], $0x80, s24, s26, $0xb8;
	[tilespmem:$0x18280] =	vst v63  }
0x62: {  	_ =	swait.ge [sflag:s23], $0x800  }
0x63: {  	[sflag:s23] =	ssyncset.done $0x0  }
0x64: {  	[sflag:s23] =	ssyncadd.s32 $0xFFFFF800  }
0x65: {  	[spmem:s2] =	stream.indirect.scatter.add.f32 [tilespmem:s28], [sflag:$0x2], $0x80, s25, s26, $0xb8;
	[tilespmem:$0x18280] =	vst v63  }
0x66: {  	_ =	swait.ge [sflag:s20], $0x800  }
0x67: {  	s6 =	sshrl.u32 @p1 s9, $0x3;
	p5 =	por @!p4 $0x1, $0x1;
	[sflag:s20] =	ssyncset.done $0x0  }
0x68: {  	p6 =	por p2, p2;
	s0 =	sshll.u32 @p1 s4, $0x6;
	[sflag:s20] =	ssyncadd.s32 $0xFFFFF800  }
0x69: {  	p6 =	por @!p4 p5, p5;
	s0 =	sor.u32 @p1 $0x1C02, s0;
	[bflag:$0x0] =	sbarrier.arrive $0xFFFF  }
0x6a: {  	[hbm:s12], [sflag:s0] =	dma.local @p1 [spmem:s6], $0x2800  }
0x6b: {  	p5 =	por @!p3 !p6, !p0;
	s0 =	simm.s32 @p1 $0x2  }
0x6c: {  	p5 =	por @!p3 !p5, !p5;
	_ =	swait.ge @p1 [sflag:s0], $0x2800  }
0x6d: {  	p5 =	por p3, p5;
	s6 =	sshll.u32 @!p4 s4, $0x6;
	[sflag:s0] =	ssyncset.done @p1 $0x0  }
0x6e: {  	[sflag:s0] =	ssyncadd.s32 @p1 $0xFFFFD800;
	s0 =	sor.u32 @!p4 $0x1C02, s6;
	s6 =	sshrl.u32 @!p4 s9, $0x3  }
0x6f: {  	[hbm:s13], [sflag:s0] =	dma.local @!p4 [spmem:s6], $0x2800  }
.Ltmp3:
0x70: {  	_ = 	snop;
	(pc) =	sbr.rel @!p5 .LBB2_5-.Ltmp3, $4  }
0x71: {  	s0 =	simm.s32 @!p4 $0x2  }
0x72: {  	_ =	swait.ge @!p4 [sflag:s0], $0x2800  }
0x73: {  	[sflag:s0] =	ssyncset.done @!p4 $0x0  }
0x74: {  	[sflag:s0] =	ssyncadd.s32 @!p4 $0xFFFFD800  }
0x75: {  	s0 =	rddreg [dreg:$0x5]  }
0x76: {  	s6 =	rddreg [dreg:$0x4]  }
0x77: {  	s31 =	sshrl.u32 s8, $0x3;
	s0 =	smov.u32 @p3 s6  }
.Ltmp4:
0x78: {  	s7 =	simm.s32 $0x1FC2;
	s0 =	sadd.s32 $0x25800, s0;
	(pc) =	sbr.rel .LBB2_5-.Ltmp4, $4  }
0x79: {  	[hbm:s0], [sflag:s7] =	dma.local [spmem:s31], $0x1900  }
0x7a: {  	_ =	swait.ge [sflag:s20], $0x1900  }
0x7b: {  	[sflag:s20] =	ssyncset.done $0x0  }
0x7c: {  	[sflag:s20] =	ssyncadd.s32 $0xFFFFE700  }
.LBB2_6:
0x7d: {  	_ =	sfence.sel $0x180000  }
0x7e: {  	[bflag:$0x0] =	sbarrier.arrive $0xFFFF  }
0x7f: {  	_ =	strace $0x9000004A  }
0x80: {  	[bflag:$0x2] =	sbarrier.arrive $0xFFFF  }
0x81: {  	p0 =	sne.s32 s4, $0x0;
	s0 =	rddreg [dreg:$0x3]  }
0x82: {  	s0 =	sadd.s32 @!p0 $0x100000, s0  }
0x83: {  	[sflag:s0] =	ssyncadd.tile.s32 @!p0 $0x1;
	_ =	shalt  }
.Lfunc_end2:
_tile_overlayer_lowered:
.L_overlay_start_2:
0x84: {  	(tag) =	ssettag $0x2  }
0x85: {  	s0 =	rddreg [dreg:$0x0];
	s2 =	stileid.u32  }
0x86: {  	s1 =	rddreg [dreg:$0x1];
	p0 =	sne.s32 s2, $0x0  }
0x87: {  	s3 =	rddreg [dreg:$0x2];
	[bflag:$0x3] =	sbarrier.arrive $0xFFFF;
	s2 =	simm.s32 @!p0 $0x1C02  }
0x88: {  	[timem:s3], [sflag:s2] =	dma.local @!p0 [hbm:s0], s1  }
0x89: {  	s0 =	simm.s32 @!p0 $0x2  }
0x8a: {  	_ =	swait.ge @!p0 [sflag:s0], s1  }
0x8b: {  	s1 =	ssub.s32 @!p0 $0x0, s1;
	[sflag:s0] =	ssyncset.done @!p0 $0x0  }
0x8c: {  	[sflag:s0] =	ssyncadd.s32 @!p0 s1  }
0x8d: {  	[bflag:$0x3] =	sbarrier.arrive $0xFFFF  }
0x8e: {  	_ =	shalt  }

// kernel: kernel.14.cloned.1.call-start
scs
__scs_entry_jumppad:
0x0: {  	(pc) =	sbr.rel $0x88, $3  }
0x1: {  	(tag) =	ssettag $0x0;
	lr =	simm.s32 $0x1  }
0x2: {  	[smem:$0x3F9B] =	sst lr;
	_ =	strace $0xD0000000  }
0x3: {  	_ = 	snop  }
0x4: {  	_ = 	snop  }
0x5: {  	_ = 	snop  }
0x6: {  	_ = 	snop  }
0x7: {  	_ = 	snop  }
__scs_overlays_trampoline_lowered:
0x8: {  	[smem:$0x3FAA] =	sst s0  }
0x9: {  	[smem:$0x3FAB] =	sst s1  }
0xa: {  	[smem:$0x3FAC] =	sst s2  }
0xb: {  	[smem:$0x3FAD] =	sst s3  }
0xc: {  	[smem:$0x3FAE] =	sst s4  }
0xd: {  	[smem:$0x3FAF] =	sst s5  }
0xe: {  	[smem:$0x3FB0] =	sst s6  }
0xf: {  	[smem:$0x3FB1] =	sst s7  }
0x10: {  	[smem:$0x3FB2] =	sst s8  }
0x11: {  	[smem:$0x3FB3] =	sst s9;
	s0 =	simm.s32 @!p0 $0x0  }
0x12: {  	s1 =	sld [smem:$0x3F99];
	s0 =	simm.s32 @p0 $0x1  }
0x13: {  	[smem:$0x3FB4] =	sst s0;
	s0 =	simm.s32 @!p1 $0x0  }
0x14: {  	s2 =	sld [smem:$0x3F98];
	s0 =	simm.s32 @p1 $0x1  }
0x15: {  	[smem:$0x3FB5] =	sst s0;
	s0 =	simm.s32 @!p2 $0x0  }
0x16: {  	s3 =	sld [smem:$0x3FDB];
	s0 =	simm.s32 @p2 $0x1  }
0x17: {  	s4 =	simm.s32 $0x1BF5;
	[smem:$0x3FB7] =	sst s0  }
0x18: {  	s0 =	sld [smem:$0x3F9A];
	_ =	swait.ge [sflag:s4], $0x0  }
0x19: {  	s7 =	sld [smem:$0x3F9B]  }
0x1a: {  	s8 =	sadd.s32 $0xFFFFE003, lr  }
0x1b: {  	s9 =	sadd.s32 $0xFFFFFEF7, lr;
	s5 =	simm.s32 $0xFFFFFFFF;
	p2 =	slt.u32 s8, $0xFFFFF086  }
0x1c: {  	p1 =	slt.u32 s9, $0xF7A;
	s5 =	simm.s32 @!p2 $0x0  }
0x1d: {  	s5 =	simm.s32 @p1 $0x1;
	p0 =	seq.s32 s7, s2  }
0x1e: {  	s7 =	smul.u32 @!p0 $0xF7A, s2;
	p2 =	seq.s32 @!p0 s5, $0x0  }
0x1f: {  	s9 =	smul.u32 $0xF7A, s1;
	s8 =	simm.s32 @!p0 $0x1BF5;
	p2 =	por !p2, p0  }
0x20: {  	[sflag:s8] =	ssyncset.s32 @!p0 $0xFFFFF086;
	s6 =	sadd.s32 @!p0 s3, s7;
	s7 =	simm.s32 @!p0 $0x108  }
0x21: {  	s3 =	sadd.s32 s3, s9;
	s6 =	sadd.s32 @!p0 $0x88, s6;
	s7 =	simm.s32 @p2 $0x1082  }
0x22: {  	[simem:s7], [sflag:s8] =	dma.local @!p0 [hbm:s6], $0xF7A  }
0x23: {  	s9 =	sor.u32 $0xD0000000, s2;
	s6 =	simm.s32 $0x108;
	_ =	swait.ge @!p0 [sflag:s8], $0x0  }
0x24: {  	s3 =	sadd.s32 $0x88, s3;
	s6 =	simm.s32 @!p1 $0x1082;
	[sflag:s4] =	ssyncset.s32 $0xFFFFF086  }
0x25: {  	[simem:s6], [sflag:s4] =	dma.local [hbm:s3], $0xF7A  }
0x26: {  	[smem:$0x3F9B] =	sst s1;
	(tag) =	ssettag s2;
	_ =	strace s9  }
0x27: {  	s1 =	sld [smem:$0x3FAB]  }
0x28: {  	s2 =	sld [smem:$0x3FAC]  }
0x29: {  	s4 =	sld [smem:$0x3FAE]  }
0x2a: {  	p0 =	seq.s32 s5, $0x0;
	s5 =	sld [smem:$0x3FAF]  }
0x2b: {  	s6 =	sld [smem:$0x3FB0]  }
0x2c: {  	s7 =	sld [smem:$0x3FB1]  }
0x2d: {  	s3 =	simm.s32 $0x108;
	s8 =	sld [smem:$0x3FB2]  }
0x2e: {  	s3 =	simm.s32 @!p0 $0x1082;
	s9 =	sld [smem:$0x3FB3]  }
0x2f: {  	lr =	sadd.s32 s0, s3;
	s0 =	sld [smem:$0x3FAA]  }
0x30: {  	s3 =	sld [smem:$0x3FAD]  }
0x31: {  	[smem:$0x3FB6] =	sst s10  }
0x32: {  	s10 =	sld [smem:$0x3FB4];
	_ =	sdelay $0x3  }
0x33: {  	p0 =	seq.s32 s10, $0x1;
	s10 =	sld [smem:$0x3FB6];
	_ =	sdelay $0x3  }
0x34: {  	[smem:$0x3FB6] =	sst s10  }
0x35: {  	s10 =	sld [smem:$0x3FB5];
	_ =	sdelay $0x3  }
0x36: {  	p1 =	seq.s32 s10, $0x1;
	s10 =	sld [smem:$0x3FB6];
	_ =	sdelay $0x3  }
0x37: {  	[smem:$0x3FB6] =	sst s10  }
0x38: {  	s10 =	sld [smem:$0x3FB7]  }
0x39: {  	_ = 	snop;
	(pc) =	sbr.ind lr, $3  }
0x3a: {  	_ = 	snop  }
0x3b: {  	_ = 	snop  }
0x3c: {  	p2 =	seq.s32 s10, $0x1;
	s10 =	sld [smem:$0x3FB6]  }
0x3d: {  	_ =	shalt  }
0x3e: {  	_ =	shalt  }
0x3f: {  	_ =	shalt  }
0x40: {  	_ =	shalt  }
0x41: {  	_ =	shalt  }
0x42: {  	_ =	shalt  }
0x43: {  	_ =	shalt  }
0x44: {  	_ =	shalt  }
0x45: {  	_ =	shalt  }
0x46: {  	_ =	shalt  }
0x47: {  	_ =	shalt  }
0x48: {  	_ =	shalt  }
0x49: {  	_ =	shalt  }
0x4a: {  	_ =	shalt  }
0x4b: {  	_ =	shalt  }
0x4c: {  	_ =	shalt  }
0x4d: {  	_ =	shalt  }
0x4e: {  	_ =	shalt  }
0x4f: {  	_ =	shalt  }
0x50: {  	_ =	shalt  }
0x51: {  	_ =	shalt  }
0x52: {  	_ =	shalt  }
0x53: {  	_ =	shalt  }
0x54: {  	_ =	shalt  }
0x55: {  	_ =	shalt  }
0x56: {  	_ =	shalt  }
0x57: {  	_ =	shalt  }
0x58: {  	_ =	shalt  }
0x59: {  	_ =	shalt  }
0x5a: {  	_ =	shalt  }
0x5b: {  	_ =	shalt  }
0x5c: {  	_ =	shalt  }
0x5d: {  	_ =	shalt  }
0x5e: {  	_ =	shalt  }
0x5f: {  	_ =	shalt  }
0x60: {  	_ =	shalt  }
0x61: {  	_ =	shalt  }
0x62: {  	_ =	shalt  }
0x63: {  	_ =	shalt  }
0x64: {  	_ =	shalt  }
0x65: {  	_ =	shalt  }
0x66: {  	_ =	shalt  }
0x67: {  	_ =	shalt  }
0x68: {  	_ =	shalt  }
0x69: {  	_ =	shalt  }
0x6a: {  	_ =	shalt  }
0x6b: {  	_ =	shalt  }
0x6c: {  	_ =	shalt  }
0x6d: {  	_ =	shalt  }
0x6e: {  	_ =	shalt  }
0x6f: {  	_ =	shalt  }
0x70: {  	_ =	shalt  }
0x71: {  	_ =	shalt  }
0x72: {  	_ =	shalt  }
0x73: {  	_ =	shalt  }
0x74: {  	_ =	shalt  }
0x75: {  	_ =	shalt  }
0x76: {  	_ =	shalt  }
0x77: {  	_ =	shalt  }
0x78: {  	_ =	shalt  }
0x79: {  	_ =	shalt  }
0x7a: {  	_ =	shalt  }
0x7b: {  	_ =	shalt  }
0x7c: {  	_ =	shalt  }
0x7d: {  	_ =	shalt  }
0x7e: {  	_ =	shalt  }
0x7f: {  	_ =	shalt  }
0x80: {  	_ =	shalt  }
0x81: {  	_ =	shalt  }
0x82: {  	_ =	shalt  }
0x83: {  	_ =	shalt  }
0x84: {  	_ =	shalt  }
0x85: {  	_ =	shalt  }
0x86: {  	_ =	shalt  }
0x87: {  	_ =	shalt  }
.Lfunc_end0:
.L_simem_size_0:
called_computation.2_lowered:
.L_overlay_start_0:
0x88: {  	s2 =	sld [smem:$0x3FD9]  }
0x89: {  	s3 =	sld [smem:$0x3FFE];
	_ =	sdelay $0x1  }
0x8a: {  	s1 =	srdreg.scid  }
0x8b: {  	s0 =	sand.u32 $0x1, s1  }
0x8c: {  	s17 =	sshll.u32 s0, $0xA;
	s2 =	sadd.s32 s3, s2  }
0x8d: {  	s2 =	sadd.s32 s2, s17  }
0x8e: {  	[smem:$0x3FC2] =	sst s2  }
0x8f: {  	_ = 	snop  }
0x90: {  	s2 =	sld [smem:$0x3FD0];
	(tm) =	ssettm $0x1  }
0x91: {  	s18 =	sld [smem:$0x3FFB];
	_ =	sdelay $0x3  }
0x92: {  	_ =	strace s18  }
0x93: {  	s3 =	sld [smem:$0x3FFC];
	_ =	sdelay $0x3  }
0x94: {  	_ =	strace s3  }
0x95: {  	s3 =	sld [smem:$0x3FFD];
	_ =	sdelay $0x3  }
0x96: {  	_ =	strace s3  }
0x97: {  	_ =	strace $0x8FFFFFFF  }
0x98: {  	s19 =	sld [smem:$0x3FDB];
	_ =	sdelay $0x1  }
0x99: {  	s4 =	simm.s32 $_scs_section_size  }
0x9a: {  	s5 =	simm.s32 $_size__tile_overlayer_lowered;
	s6 =	simm.s32 $_tile_overlayer_lowered  }
0x9b: {  	s22 =	simm.s32 $0x1BFF;
	s21 =	sshll.u32 s6, $0x1;
	s3 =	sadd.s32 s4, s19  }
0x9c: {  	s7 =	simm.s32 $0x0;
	s20 =	sshll.u32 s5, $0x1;
	s5 =	sadd.s32 s21, s3  }
0x9d: {  	[timem:s7], [sflag:s22] =	dma.local [hbm:s5], s20  }
0x9e: {  	_ =	swait.ge [sflag:s22], s20  }
0x9f: {  	s4 =	ssub.s32 $0x0, s20;
	[sflag:s22] =	ssyncset.done $0x0  }
0xa0: {  	[sflag:s22] =	ssyncadd.s32 s4;
	_ =	sdelay $0x1  }
0xa1: {  	s23 =	simm.s32 $0x1B8B  }
0xa2: {  	_ =	swait.ge [sflag:s23], $0x1  }
0xa3: {  	[sflag:s23] =	ssyncset.done $0x0  }
0xa4: {  	s25 =	simm.s32 $0x1B8E;
	s24 =	sld [smem:$0x3FFE];
	[sflag:s23] =	ssyncadd.s32 $0xFFFFFFFF  }
0xa5: {  	s26 =	simm.s32 $execute0_lowered;
	[smem:$0x3FD2] =	sst s25  }
0xa6: {  	s5 =	sshll.u32 s26, $0x1;
	_ =	strace $0x8000004C;
	[dreg:$0x1] =	wrdreg $0xFFFFFFFF  }
0xa7: {  	s28 =	simm.s32 $_size_execute0_lowered;
	s3 =	sadd.s32 s3, s5;
	[dreg:$0x0] =	wrdreg $0x0  }
0xa8: {  	s5 =	sshll.u32 s28, $0x1;
	[dreg:$0x2] =	wrdreg s3  }
0xa9: {  	[dreg:$0x3] =	wrdreg s5  }
0xaa: {  	[dreg:$0x4] =	wrdreg $0xC0  }
0xab: {  	_ =	task [dreg:s7], $0x5FFFF  }
0xac: {  	[dreg:$0x1] =	wrdreg $0xFFFFFFFF  }
0xad: {  	[dreg:$0x0] =	wrdreg $0x60  }
0xae: {  	[dreg:$0x2] =	wrdreg s2  }
0xaf: {  	[dreg:$0x3] =	wrdreg s24  }
0xb0: {  	[dreg:$0x4] =	wrdreg $0x4A000  }
0xb1: {  	[dreg:$0x5] =	wrdreg $0x9  }
0xb2: {  	_ =	task.clear_ibuf [dreg:s7], $0x6FFFF;
	_ =	strace $0x9000004C  }
0xb3: {  	s29 =	simm.s32 $0x9;
	_ =	strace $0x8000004E  }
0xb4: {  	_ =	swait.ge [sflag:s29], $0x1  }
0xb5: {  	[sflag:s29] =	ssyncadd.s32 $0xFFFFFFFF  }
0xb6: {  	_ =	strace $0x9000004E  }
0xb7: {  	_ =	sfence  }
0xb8: {  	s30 =	sld [smem:$0x0];
	_ =	sdelay $0x2  }
0xb9: {  	s31 =	sshll.u32 s1, $0xD;
	s1 =	sshrl.u32 s1, $0x2  }
0xba: {  	s3 =	sand.u32 $0x4000, s31;
	s1 =	sadd.s32 s1, s30  }
0xbb: {  	s0 =	sor.u32 s3, s0;
	s1 =	sshll.u32 s1, $0x11  }
0xbc: {  	s0 =	sor.u32 s1, s0  }
0xbd: {  	s0 =	sadd.s32 $0x8F2B, s0  }
0xbe: {  	[sflag:s0] =	ssyncadd.remote.s32 $0x1  }
0xbf: {  	_ =	sfence.sel $0xFFFF  }
0xc0: {  	[dreg:$0x0] =	wrdreg $0xFFFFFFFF;
	(pc) =	sbr.abs _section_cstart, $3  }
0xc1: {  	[dreg:$0x1] =	wrdreg $0xFFFFFFFF  }
0xc2: {  	_ =	task.clear_ibuf [dreg:s7], $0x2FFFF;
	_ =	strace $0x9FFFFFFF  }
0xc3: {  	(tm) =	ssettm $0x7FFFFFFF  }
tec
execute0_lowered:
.L_overlay_start_1:
0x0: {  	(tag) =	ssettag $0x1  }
0x1: {  	s1 =	rddreg [dreg:$0x0]  }
0x2: {  	s0 =	rddreg [dreg:$0x1]  }
0x3: {  	s2 =	rddreg [dreg:$0x2]  }
0x4: {  	s3 =	simm.s32 $0x0;
	s6 =	srdreg.scid;
	s4 =	stileid.u32  }
0x5: {  	s20 =	simm.s32 $0x2;
	s21 =	simm.s32 $0x80;
	s22 =	simm.s32 $0x200  }
0x6: {  	s23 =	simm.s32 $0x1;
	s28 =	simm.s32 $0x4200;
	s30 =	simm.s32 $0x0  }
0x7: {  	[smem:$0x7FF] =	sst s3;
	s16 =	sadd.s32 $0x4400, s0;
	s15 =	sadd.s32 $0xE200, s0  }
0x8: {  	s5 =	sadd.s32 $0x68000, s0;
	s13 =	sand.u32 $0x1, s6;
	s24 =	sadd.s32 $0x6A800, s0  }
0x9: {  	s7 =	sshll.u32 s4, $0x1;
	s11 =	smul.u32 $0x50000, s4;
	s25 =	sadd.s32 $0x91A00, s0  }
0xa: {  	p0 =	seq.s32 s4, $0xF;
	p4 =	sne.s32 s4, $0xF;
	s14 =	smul.u32 $0x2800, s4  }
0xb: {  	s19 =	sadd.s32 $0x12C000, s2;
	s17 =	smul.u32 $0x4E20, s4;
	_ =	strace $0x8000004D  }
0xc: {  	s8 =	ssub.s32 $0x2, s13;
	s10 =	sor.u32 s13, s7;
	[dreg:$0x4] =	wrdreg s24  }
0xd: {  	p2 =	seq.s32 s13, $0x0;
	s18 =	smul.u32 $0x2710, s13;
	[dreg:$0x5] =	wrdreg s25  }
0xe: {  	s0 =	sshll.u32 @!p0 s4, $0x6;
	s9 =	sshrl.u32 s8, $0x1;
	s10 =	smul.u32 $0x2710, s10  }
0xf: {  	s29 =	sshrl.u32 s11, $0x2;
	p1 =	por !p2, !p4;
	s12 =	sadd.s32 s24, s14  }
0x10: {  	p3 =	por !p2, !p0;
	p2 =	seq.s32 s13, $0x1;
	s13 =	sadd.s32 s25, s14  }
0x11: {  	s24 =	simm.s32 $0x100;
	s25 =	simm.s32 $0x180;
	s26 =	ssub.s32 s8, s9  }
0x12: {  	s9 =	sadd.s32 s29, s2;
	p1 =	por !p1, !p1;
	p3 =	por !p3, !p3  }
0x13: {  	p4 =	por !p4, !p2;
	s17 =	sadd.s32 s18, s17;
	s8 =	smov.u32 s19  }
.Ltmp0:
0x14: {  	s18 =	sor.u32 @!p0 $0x1C02, s0;
	s10 =	sshrl.u32 s10, $0x3;
	(pc) =	sbr.rel .LBB2_1-.Ltmp0, $4  }
0x15: {  	p4 =	por !p4, !p4;
	s17 =	sshrl.u32 s17, $0x3;
	s14 =	smax.u32 s26, $0x1  }
0x16: {  	s26 =	simm.s32 $0x10;
	s31 =	sadd.s32 $0x4E0, s10;
	p4 =	por !p4, p3  }
0x17: {  	s10 =	sadd.s32 s16, s31;
	s11 =	sadd.s32 s15, s31;
	s15 =	sadd.s32 s17, s15  }
0x18: {  	s16 =	sadd.s32 s17, s16;
	s17 =	sshrl.u32 @p0 s19, $0x3;
	s19 =	sshrl.u32 @!p0 s9, $0x3  }
.LBB2_5:
0x19: {  	s30 =	sadd.s32 $0x1, s30  }
0x1a: {  	p5 =	sne.s32 s30, s14  }
.Ltmp1:
0x1b: {  	_ = 	snop;
	(pc) =	sbr.rel @!p5 .LBB2_6-.Ltmp1, $1  }
0x1c: {  	_ =	sdelay $0x3  }
.LBB2_1:
0x1d: {  	s0 =	simm.s32 @p0 $0x1FC2  }
0x1e: {  	[spmem:s17], [sflag:s0] =	dma.local @p0 [hbm:s5], $0x1900  }
0x1f: {  	s0 =	simm.s32 @p0 $0x2  }
0x20: {  	_ =	swait.ge @p0 [sflag:s0], $0x1900  }
0x21: {  	[sflag:s0] =	ssyncset.done @p0 $0x0  }
0x22: {  	[sflag:s0] =	ssyncadd.s32 @p0 $0xFFFFE700;
	s0 =	simm.s32 @!p0 $0x2  }
0x23: {  	[spmem:s19], [sflag:s18] =	dma.local @!p0 [hbm:s5], $0x2800  }
0x24: {  	_ =	swait.ge @!p0 [sflag:s0], $0x2800  }
0x25: {  	[sflag:s0] =	ssyncset.done @!p0 $0x0  }
0x26: {  	[sflag:s0] =	ssyncadd.s32 @!p0 $0xFFFFD800  }
0x27: {  	s7 =	sadd.s32 $0x0, s16;
	[bflag:$0x0] =	sbarrier.arrive $0xFFFF  }
0x28: {  	[tilespmem:s3], [sflag:$0x2] =	stream.linear.gather [hbm4b:s7+s3], $0x80, $0x38;
	[tilespmem:$0x18280] =	vst v63  }
0x29: {  	_ =	swait.ge [sflag:s20], $0x80  }
0x2a: {  	[sflag:s20] =	ssyncset.done $0x0  }
0x2b: {  	s29 =	sadd.s32 $0x0, s15;
	[sflag:s20] =	ssyncadd.s32 $0xFFFFFF80  }
0x2c: {  	[tilespmem:s21], [sflag:$0x2] =	stream.linear.gather [hbm4b:s29+s3], $0x80, $0x38;
	[tilespmem:$0x18280] =	vst v63  }
0x2d: {  	_ =	swait.ge [sflag:s20], $0x80  }
0x2e: {  	[sflag:s20] =	ssyncset.done $0x0  }
0x2f: {  	[sflag:s20] =	ssyncadd.s32 $0xFFFFFF80  }
0x30: {  	[tilespmem:s22], [sflag:$0x1] =	stream.indirect.gather [hbm4b:s1+s21], $0x80, s3, s21, $0xb8;
	[tilespmem:$0x18280] =	vst v63  }
0x31: {  	_ =	swait.ge [sflag:s23], $0x4000  }
0x32: {  	[sflag:s23] =	ssyncset.done $0x0  }
0x33: {  	[sflag:s23] =	ssyncadd.s32 $0xFFFFC000  }
0x34: {  	[spmem:s2] =	stream.indirect.scatter.add.f32 [tilespmem:s22], [sflag:$0x2], $0x80, s21, s21, $0xb8;
	[tilespmem:$0x18280] =	vst v63  }
0x35: {  	_ =	swait.ge [sflag:s20], $0x4000  }
0x36: {  	s31 =	simm.s32 $0x10;
	s0 =	simm.s32 $0x20;
	[sflag:s20] =	ssyncset.done $0x0  }
.LBB2_2:
0x37: {  	s29 =	sadd.s32 s31, s16  }
0x38: {  	[sflag:s20] =	ssyncadd.s32 $0xFFFFC000;
	s6 =	smov.u32 s0;
	s7 =	sadd.s32 $0x10, s0  }
0x39: {  	[tilespmem:s3], [sflag:$0x2] =	stream.linear.gather [hbm4b:s29+s3], $0x80, $0x38;
	[tilespmem:$0x18280] =	vst v63  }
0x3a: {  	p5 =	sne.s32 s0, $0x4D0;
	_ =	swait.ge [sflag:s20], $0x80  }
0x3b: {  	[sflag:s20] =	ssyncset.done $0x0  }
0x3c: {  	s0 =	sadd.s32 s31, s15;
	s31 =	smov.u32 s6;
	[sflag:s20] =	ssyncadd.s32 $0xFFFFFF80  }
0x3d: {  	[tilespmem:s21], [sflag:$0x2] =	stream.linear.gather [hbm4b:s0+s3], $0x80, $0x38;
	[tilespmem:$0x18280] =	vst v63  }
0x3e: {  	_ =	swait.ge [sflag:s20], $0x80  }
0x3f: {  	[sflag:s20] =	ssyncset.done $0x0  }
0x40: {  	[sflag:s20] =	ssyncadd.s32 $0xFFFFFF80  }
0x41: {  	[tilespmem:s22], [sflag:$0x1] =	stream.indirect.gather [hbm4b:s1+s21], $0x80, s3, s21, $0xb8;
	[tilespmem:$0x18280] =	vst v63  }
0x42: {  	_ =	swait.ge [sflag:s23], $0x4000  }
.Ltmp2:
0x43: {  	[sflag:s23] =	ssyncset.done $0x0;
	(pc) =	sbr.rel @p5 .LBB2_2-.Ltmp2, $4  }
0x44: {  	[sflag:s23] =	ssyncadd.s32 $0xFFFFC000  }
0x45: {  	[spmem:s2] =	stream.indirect.scatter.add.f32 [tilespmem:s22], [sflag:$0x2], $0x80, s21, s21, $0xb8;
	[tilespmem:$0x18280] =	vst v63  }
0x46: {  	_ =	swait.ge [sflag:s20], $0x4000  }
0x47: {  	s0 =	smov.u32 s7;
	[sflag:s20] =	ssyncset.done $0x0  }
0x48: {  	s0 =	sadd.s32 s31, s16;
	[sflag:s20] =	ssyncadd.s32 $0xFFFFC000  }
0x49: {  	[tilespmem:s3], [sflag:$0x2] =	stream.linear.gather [hbm4b:s0+s3], $0x80, $0x38;
	[tilespmem:$0x18280] =	vst v63  }
0x4a: {  	_ =	swait.ge [sflag:s20], $0x80  }
0x4b: {  	[sflag:s20] =	ssyncset.done $0x0  }
0x4c: {  	s31 =	sadd.s32 s31, s15;
	[sflag:s20] =	ssyncadd.s32 $0xFFFFFF80  }
0x4d: {  	[tilespmem:s21], [sflag:$0x2] =	stream.linear.gather [hbm4b:s31+s3], $0x80, $0x38;
	[tilespmem:$0x18280] =	vst v63  }
0x4e: {  	_ =	swait.ge [sflag:s20], $0x80  }
0x4f: {  	[sflag:s20] =	ssyncset.done $0x0  }
0x50: {  	[sflag:s20] =	ssyncadd.s32 $0xFFFFFF80  }
0x51: {  	[tilespmem:s22], [sflag:$0x1] =	stream.indirect.gather [hbm4b:s1+s21], $0x80, s3, s21, $0xb8;
	[tilespmem:$0x18280] =	vst v63  }
0x52: {  	_ =	swait.ge [sflag:s23], $0x4000  }
0x53: {  	[sflag:s23] =	ssyncset.done $0x0  }
0x54: {  	[sflag:s23] =	ssyncadd.s32 $0xFFFFC000  }
0x55: {  	[spmem:s2] =	stream.indirect.scatter.add.f32 [tilespmem:s22], [sflag:$0x2], $0x80, s21, s21, $0xb8;
	[tilespmem:$0x18280] =	vst v63  }
0x56: {  	_ =	swait.ge [sflag:s20], $0x4000  }
0x57: {  	[sflag:s20] =	ssyncset.done $0x0  }
0x58: {  	[sflag:s20] =	ssyncadd.s32 $0xFFFFC000  }
0x59: {  	[tilespmem:s24], [sflag:$0x2] =	stream.linear.gather [hbm4b:s10+s3], $0x10, $0x38;
	[tilespmem:$0x18280] =	vst v63  }
0x5a: {  	_ =	swait.ge [sflag:s20], $0x10  }
0x5b: {  	[sflag:s20] =	ssyncset.done $0x0  }
0x5c: {  	[sflag:s20] =	ssyncadd.s32 $0xFFFFFFF0  }
0x5d: {  	[tilespmem:s25], [sflag:$0x2] =	stream.linear.gather [hbm4b:s11+s3], $0x10, $0x38;
	[tilespmem:$0x18280] =	vst v63  }
0x5e: {  	_ =	swait.ge [sflag:s20], $0x10  }
0x5f: {  	[sflag:s20] =	ssyncset.done $0x0  }
0x60: {  	[sflag:s20] =	ssyncadd.s32 $0xFFFFFFF0  }
0x61: {  	[tilespmem:s28], [sflag:$0x1] =	stream.indirect.gather [hbm4b:s1+s26], $0x80, s24, s26, $0xb8;
	[tilespmem:$0x18280] =	vst v63  }
0x62: {  	_ =	swait.ge [sflag:s23], $0x800  }
0x63: {  	[sflag:s23] =	ssyncset.done $0x0  }
0x64: {  	[sflag:s23] =	ssyncadd.s32 $0xFFFFF800  }
0x65: {  	[spmem:s2] =	stream.indirect.scatter.add.f32 [tilespmem:s28], [sflag:$0x2], $0x80, s25, s26, $0xb8;
	[tilespmem:$0x18280] =	vst v63  }
0x66: {  	_ =	swait.ge [sflag:s20], $0x800  }
0x67: {  	s6 =	sshrl.u32 @p1 s9, $0x3;
	p5 =	por @!p4 $0x1, $0x1;
	[sflag:s20] =	ssyncset.done $0x0  }
0x68: {  	p6 =	por p2, p2;
	s0 =	sshll.u32 @p1 s4, $0x6;
	[sflag:s20] =	ssyncadd.s32 $0xFFFFF800  }
0x69: {  	p6 =	por @!p4 p5, p5;
	s0 =	sor.u32 @p1 $0x1C02, s0;
	[bflag:$0x0] =	sbarrier.arrive $0xFFFF  }
0x6a: {  	[hbm:s12], [sflag:s0] =	dma.local @p1 [spmem:s6], $0x2800  }
0x6b: {  	p5 =	por @!p3 !p6, !p0;
	s0 =	simm.s32 @p1 $0x2  }
0x6c: {  	p5 =	por @!p3 !p5, !p5;
	_ =	swait.ge @p1 [sflag:s0], $0x2800  }
0x6d: {  	p5 =	por p3, p5;
	s6 =	sshll.u32 @!p4 s4, $0x6;
	[sflag:s0] =	ssyncset.done @p1 $0x0  }
0x6e: {  	[sflag:s0] =	ssyncadd.s32 @p1 $0xFFFFD800;
	s0 =	sor.u32 @!p4 $0x1C02, s6;
	s6 =	sshrl.u32 @!p4 s9, $0x3  }
0x6f: {  	[hbm:s13], [sflag:s0] =	dma.local @!p4 [spmem:s6], $0x2800  }
.Ltmp3:
0x70: {  	_ = 	snop;
	(pc) =	sbr.rel @!p5 .LBB2_5-.Ltmp3, $4  }
0x71: {  	s0 =	simm.s32 @!p4 $0x2  }
0x72: {  	_ =	swait.ge @!p4 [sflag:s0], $0x2800  }
0x73: {  	[sflag:s0] =	ssyncset.done @!p4 $0x0  }
0x74: {  	[sflag:s0] =	ssyncadd.s32 @!p4 $0xFFFFD800  }
0x75: {  	s0 =	rddreg [dreg:$0x5]  }
0x76: {  	s6 =	rddreg [dreg:$0x4]  }
0x77: {  	s31 =	sshrl.u32 s8, $0x3;
	s0 =	smov.u32 @p3 s6  }
.Ltmp4:
0x78: {  	s7 =	simm.s32 $0x1FC2;
	s0 =	sadd.s32 $0x25800, s0;
	(pc) =	sbr.rel .LBB2_5-.Ltmp4, $4  }
0x79: {  	[hbm:s0], [sflag:s7] =	dma.local [spmem:s31], $0x1900  }
0x7a: {  	_ =	swait.ge [sflag:s20], $0x1900  }
0x7b: {  	[sflag:s20] =	ssyncset.done $0x0  }
0x7c: {  	[sflag:s20] =	ssyncadd.s32 $0xFFFFE700  }
.LBB2_6:
0x7d: {  	_ =	sfence.sel $0x180000  }
0x7e: {  	[bflag:$0x0] =	sbarrier.arrive $0xFFFF  }
0x7f: {  	_ =	strace $0x9000004D  }
0x80: {  	[bflag:$0x2] =	sbarrier.arrive $0xFFFF  }
0x81: {  	p0 =	sne.s32 s4, $0x0;
	s0 =	rddreg [dreg:$0x3]  }
0x82: {  	s0 =	sadd.s32 @!p0 $0x100000, s0  }
0x83: {  	[sflag:s0] =	ssyncadd.tile.s32 @!p0 $0x1;
	_ =	shalt  }
.Lfunc_end2:
_tile_overlayer_lowered:
.L_overlay_start_2:
0x84: {  	(tag) =	ssettag $0x2  }
0x85: {  	s0 =	rddreg [dreg:$0x0];
	s2 =	stileid.u32  }
0x86: {  	s1 =	rddreg [dreg:$0x1];
	p0 =	sne.s32 s2, $0x0  }
0x87: {  	s3 =	rddreg [dreg:$0x2];
	[bflag:$0x3] =	sbarrier.arrive $0xFFFF;
	s2 =	simm.s32 @!p0 $0x1C02  }
0x88: {  	[timem:s3], [sflag:s2] =	dma.local @!p0 [hbm:s0], s1  }
0x89: {  	s0 =	simm.s32 @!p0 $0x2  }
0x8a: {  	_ =	swait.ge @!p0 [sflag:s0], s1  }
0x8b: {  	s1 =	ssub.s32 @!p0 $0x0, s1;
	[sflag:s0] =	ssyncset.done @!p0 $0x0  }
0x8c: {  	[sflag:s0] =	ssyncadd.s32 @!p0 s1  }
0x8d: {  	[bflag:$0x3] =	sbarrier.arrive $0xFFFF  }
0x8e: {  	_ =	shalt  }

// kernel: kernel.8.cloned.1.call-start
scs
__scs_entry_jumppad:
0x0: {  	(pc) =	sbr.rel $0x88, $3  }
0x1: {  	(tag) =	ssettag $0x0;
	lr =	simm.s32 $0x1  }
0x2: {  	[smem:$0x3F9B] =	sst lr;
	_ =	strace $0xD0000000  }
0x3: {  	_ = 	snop  }
0x4: {  	_ = 	snop  }
0x5: {  	_ = 	snop  }
0x6: {  	_ = 	snop  }
0x7: {  	_ = 	snop  }
__scs_overlays_trampoline_lowered:
0x8: {  	[smem:$0x3FAA] =	sst s0  }
0x9: {  	[smem:$0x3FAB] =	sst s1  }
0xa: {  	[smem:$0x3FAC] =	sst s2  }
0xb: {  	[smem:$0x3FAD] =	sst s3  }
0xc: {  	[smem:$0x3FAE] =	sst s4  }
0xd: {  	[smem:$0x3FAF] =	sst s5  }
0xe: {  	[smem:$0x3FB0] =	sst s6  }
0xf: {  	[smem:$0x3FB1] =	sst s7  }
0x10: {  	[smem:$0x3FB2] =	sst s8  }
0x11: {  	[smem:$0x3FB3] =	sst s9;
	s0 =	simm.s32 @!p0 $0x0  }
0x12: {  	s1 =	sld [smem:$0x3F99];
	s0 =	simm.s32 @p0 $0x1  }
0x13: {  	[smem:$0x3FB4] =	sst s0;
	s0 =	simm.s32 @!p1 $0x0  }
0x14: {  	s2 =	sld [smem:$0x3F98];
	s0 =	simm.s32 @p1 $0x1  }
0x15: {  	[smem:$0x3FB5] =	sst s0;
	s0 =	simm.s32 @!p2 $0x0  }
0x16: {  	s3 =	sld [smem:$0x3FDB];
	s0 =	simm.s32 @p2 $0x1  }
0x17: {  	s4 =	simm.s32 $0x1BF5;
	[smem:$0x3FB7] =	sst s0  }
0x18: {  	s0 =	sld [smem:$0x3F9A];
	_ =	swait.ge [sflag:s4], $0x0  }
0x19: {  	s7 =	sld [smem:$0x3F9B]  }
0x1a: {  	s8 =	sadd.s32 $0xFFFFE003, lr  }
0x1b: {  	s9 =	sadd.s32 $0xFFFFFEF7, lr;
	s5 =	simm.s32 $0xFFFFFFFF;
	p2 =	slt.u32 s8, $0xFFFFF086  }
0x1c: {  	p1 =	slt.u32 s9, $0xF7A;
	s5 =	simm.s32 @!p2 $0x0  }
0x1d: {  	s5 =	simm.s32 @p1 $0x1;
	p0 =	seq.s32 s7, s2  }
0x1e: {  	s7 =	smul.u32 @!p0 $0xF7A, s2;
	p2 =	seq.s32 @!p0 s5, $0x0  }
0x1f: {  	s9 =	smul.u32 $0xF7A, s1;
	s8 =	simm.s32 @!p0 $0x1BF5;
	p2 =	por !p2, p0  }
0x20: {  	[sflag:s8] =	ssyncset.s32 @!p0 $0xFFFFF086;
	s6 =	sadd.s32 @!p0 s3, s7;
	s7 =	simm.s32 @!p0 $0x108  }
0x21: {  	s3 =	sadd.s32 s3, s9;
	s6 =	sadd.s32 @!p0 $0x88, s6;
	s7 =	simm.s32 @p2 $0x1082  }
0x22: {  	[simem:s7], [sflag:s8] =	dma.local @!p0 [hbm:s6], $0xF7A  }
0x23: {  	s9 =	sor.u32 $0xD0000000, s2;
	s6 =	simm.s32 $0x108;
	_ =	swait.ge @!p0 [sflag:s8], $0x0  }
0x24: {  	s3 =	sadd.s32 $0x88, s3;
	s6 =	simm.s32 @!p1 $0x1082;
	[sflag:s4] =	ssyncset.s32 $0xFFFFF086  }
0x25: {  	[simem:s6], [sflag:s4] =	dma.local [hbm:s3], $0xF7A  }
0x26: {  	[smem:$0x3F9B] =	sst s1;
	(tag) =	ssettag s2;
	_ =	strace s9  }
0x27: {  	s1 =	sld [smem:$0x3FAB]  }
0x28: {  	s2 =	sld [smem:$0x3FAC]  }
0x29: {  	s4 =	sld [smem:$0x3FAE]  }
0x2a: {  	p0 =	seq.s32 s5, $0x0;
	s5 =	sld [smem:$0x3FAF]  }
0x2b: {  	s6 =	sld [smem:$0x3FB0]  }
0x2c: {  	s7 =	sld [smem:$0x3FB1]  }
0x2d: {  	s3 =	simm.s32 $0x108;
	s8 =	sld [smem:$0x3FB2]  }
0x2e: {  	s3 =	simm.s32 @!p0 $0x1082;
	s9 =	sld [smem:$0x3FB3]  }
0x2f: {  	lr =	sadd.s32 s0, s3;
	s0 =	sld [smem:$0x3FAA]  }
0x30: {  	s3 =	sld [smem:$0x3FAD]  }
0x31: {  	[smem:$0x3FB6] =	sst s10  }
0x32: {  	s10 =	sld [smem:$0x3FB4];
	_ =	sdelay $0x3  }
0x33: {  	p0 =	seq.s32 s10, $0x1;
	s10 =	sld [smem:$0x3FB6];
	_ =	sdelay $0x3  }
0x34: {  	[smem:$0x3FB6] =	sst s10  }
0x35: {  	s10 =	sld [smem:$0x3FB5];
	_ =	sdelay $0x3  }
0x36: {  	p1 =	seq.s32 s10, $0x1;
	s10 =	sld [smem:$0x3FB6];
	_ =	sdelay $0x3  }
0x37: {  	[smem:$0x3FB6] =	sst s10  }
0x38: {  	s10 =	sld [smem:$0x3FB7]  }
0x39: {  	_ = 	snop;
	(pc) =	sbr.ind lr, $3  }
0x3a: {  	_ = 	snop  }
0x3b: {  	_ = 	snop  }
0x3c: {  	p2 =	seq.s32 s10, $0x1;
	s10 =	sld [smem:$0x3FB6]  }
0x3d: {  	_ =	shalt  }
0x3e: {  	_ =	shalt  }
0x3f: {  	_ =	shalt  }
0x40: {  	_ =	shalt  }
0x41: {  	_ =	shalt  }
0x42: {  	_ =	shalt  }
0x43: {  	_ =	shalt  }
0x44: {  	_ =	shalt  }
0x45: {  	_ =	shalt  }
0x46: {  	_ =	shalt  }
0x47: {  	_ =	shalt  }
0x48: {  	_ =	shalt  }
0x49: {  	_ =	shalt  }
0x4a: {  	_ =	shalt  }
0x4b: {  	_ =	shalt  }
0x4c: {  	_ =	shalt  }
0x4d: {  	_ =	shalt  }
0x4e: {  	_ =	shalt  }
0x4f: {  	_ =	shalt  }
0x50: {  	_ =	shalt  }
0x51: {  	_ =	shalt  }
0x52: {  	_ =	shalt  }
0x53: {  	_ =	shalt  }
0x54: {  	_ =	shalt  }
0x55: {  	_ =	shalt  }
0x56: {  	_ =	shalt  }
0x57: {  	_ =	shalt  }
0x58: {  	_ =	shalt  }
0x59: {  	_ =	shalt  }
0x5a: {  	_ =	shalt  }
0x5b: {  	_ =	shalt  }
0x5c: {  	_ =	shalt  }
0x5d: {  	_ =	shalt  }
0x5e: {  	_ =	shalt  }
0x5f: {  	_ =	shalt  }
0x60: {  	_ =	shalt  }
0x61: {  	_ =	shalt  }
0x62: {  	_ =	shalt  }
0x63: {  	_ =	shalt  }
0x64: {  	_ =	shalt  }
0x65: {  	_ =	shalt  }
0x66: {  	_ =	shalt  }
0x67: {  	_ =	shalt  }
0x68: {  	_ =	shalt  }
0x69: {  	_ =	shalt  }
0x6a: {  	_ =	shalt  }
0x6b: {  	_ =	shalt  }
0x6c: {  	_ =	shalt  }
0x6d: {  	_ =	shalt  }
0x6e: {  	_ =	shalt  }
0x6f: {  	_ =	shalt  }
0x70: {  	_ =	shalt  }
0x71: {  	_ =	shalt  }
0x72: {  	_ =	shalt  }
0x73: {  	_ =	shalt  }
0x74: {  	_ =	shalt  }
0x75: {  	_ =	shalt  }
0x76: {  	_ =	shalt  }
0x77: {  	_ =	shalt  }
0x78: {  	_ =	shalt  }
0x79: {  	_ =	shalt  }
0x7a: {  	_ =	shalt  }
0x7b: {  	_ =	shalt  }
0x7c: {  	_ =	shalt  }
0x7d: {  	_ =	shalt  }
0x7e: {  	_ =	shalt  }
0x7f: {  	_ =	shalt  }
0x80: {  	_ =	shalt  }
0x81: {  	_ =	shalt  }
0x82: {  	_ =	shalt  }
0x83: {  	_ =	shalt  }
0x84: {  	_ =	shalt  }
0x85: {  	_ =	shalt  }
0x86: {  	_ =	shalt  }
0x87: {  	_ =	shalt  }
.Lfunc_end0:
.L_simem_size_0:
called_computation_lowered:
.L_overlay_start_0:
0x88: {  	s2 =	sld [smem:$0x3FD9]  }
0x89: {  	s3 =	sld [smem:$0x3FFE];
	_ =	sdelay $0x1  }
0x8a: {  	s1 =	srdreg.scid  }
0x8b: {  	s0 =	sand.u32 $0x1, s1  }
0x8c: {  	s17 =	sshll.u32 s0, $0xA;
	s2 =	sadd.s32 s3, s2  }
0x8d: {  	s2 =	sadd.s32 s2, s17  }
0x8e: {  	[smem:$0x3FC2] =	sst s2  }
0x8f: {  	_ = 	snop  }
0x90: {  	s2 =	sld [smem:$0x3FD0];
	(tm) =	ssettm $0x1  }
0x91: {  	s18 =	sld [smem:$0x3FFB];
	_ =	sdelay $0x3  }
0x92: {  	_ =	strace s18  }
0x93: {  	s3 =	sld [smem:$0x3FFC];
	_ =	sdelay $0x3  }
0x94: {  	_ =	strace s3  }
0x95: {  	s3 =	sld [smem:$0x3FFD];
	_ =	sdelay $0x3  }
0x96: {  	_ =	strace s3  }
0x97: {  	_ =	strace $0x8FFFFFFF  }
0x98: {  	s19 =	sld [smem:$0x3FDB];
	_ =	sdelay $0x1  }
0x99: {  	s4 =	simm.s32 $_scs_section_size  }
0x9a: {  	s5 =	simm.s32 $_size__tile_overlayer_lowered;
	s6 =	simm.s32 $_tile_overlayer_lowered  }
0x9b: {  	s22 =	simm.s32 $0x1BFF;
	s21 =	sshll.u32 s6, $0x1;
	s3 =	sadd.s32 s4, s19  }
0x9c: {  	s7 =	simm.s32 $0x0;
	s20 =	sshll.u32 s5, $0x1;
	s5 =	sadd.s32 s21, s3  }
0x9d: {  	[timem:s7], [sflag:s22] =	dma.local [hbm:s5], s20  }
0x9e: {  	_ =	swait.ge [sflag:s22], s20  }
0x9f: {  	s4 =	ssub.s32 $0x0, s20;
	[sflag:s22] =	ssyncset.done $0x0  }
0xa0: {  	[sflag:s22] =	ssyncadd.s32 s4;
	_ =	sdelay $0x1  }
0xa1: {  	s23 =	simm.s32 $0x1B8B  }
0xa2: {  	_ =	swait.ge [sflag:s23], $0x1  }
0xa3: {  	[sflag:s23] =	ssyncset.done $0x0  }
0xa4: {  	s25 =	simm.s32 $0x1B8E;
	s24 =	sld [smem:$0x3FFE];
	[sflag:s23] =	ssyncadd.s32 $0xFFFFFFFF  }
0xa5: {  	s26 =	simm.s32 $execute0_lowered;
	[smem:$0x3FD2] =	sst s25  }
0xa6: {  	s5 =	sshll.u32 s26, $0x1;
	_ =	strace $0x80000046;
	[dreg:$0x1] =	wrdreg $0xFFFFFFFF  }
0xa7: {  	s28 =	simm.s32 $_size_execute0_lowered;
	s3 =	sadd.s32 s3, s5;
	[dreg:$0x0] =	wrdreg $0x0  }
0xa8: {  	s5 =	sshll.u32 s28, $0x1;
	[dreg:$0x2] =	wrdreg s3  }
0xa9: {  	[dreg:$0x3] =	wrdreg s5  }
0xaa: {  	[dreg:$0x4] =	wrdreg $0xC0  }
0xab: {  	_ =	task [dreg:s7], $0x5FFFF  }
0xac: {  	[dreg:$0x1] =	wrdreg $0xFFFFFFFF  }
0xad: {  	[dreg:$0x0] =	wrdreg $0x60  }
0xae: {  	[dreg:$0x2] =	wrdreg s24  }
0xaf: {  	[dreg:$0x3] =	wrdreg s2  }
0xb0: {  	[dreg:$0x4] =	wrdreg $0x2000  }
0xb1: {  	[dreg:$0x5] =	wrdreg $0x9  }
0xb2: {  	_ =	task.clear_ibuf [dreg:s7], $0x6FFFF;
	_ =	strace $0x90000046  }
0xb3: {  	s29 =	simm.s32 $0x9;
	_ =	strace $0x80000048  }
0xb4: {  	_ =	swait.ge [sflag:s29], $0x1  }
0xb5: {  	[sflag:s29] =	ssyncadd.s32 $0xFFFFFFFF  }
0xb6: {  	_ =	strace $0x90000048  }
0xb7: {  	_ =	sfence  }
0xb8: {  	s30 =	sld [smem:$0x0];
	_ =	sdelay $0x2  }
0xb9: {  	s31 =	sshll.u32 s1, $0xD;
	s1 =	sshrl.u32 s1, $0x2  }
0xba: {  	s3 =	sand.u32 $0x4000, s31;
	s1 =	sadd.s32 s1, s30  }
0xbb: {  	s0 =	sor.u32 s3, s0;
	s1 =	sshll.u32 s1, $0x11  }
0xbc: {  	s0 =	sor.u32 s1, s0  }
0xbd: {  	s0 =	sadd.s32 $0x8F2B, s0  }
0xbe: {  	[sflag:s0] =	ssyncadd.remote.s32 $0x1  }
0xbf: {  	_ =	sfence.sel $0xFFFF  }
0xc0: {  	[dreg:$0x0] =	wrdreg $0xFFFFFFFF;
	(pc) =	sbr.abs _section_cstart, $3  }
0xc1: {  	[dreg:$0x1] =	wrdreg $0xFFFFFFFF  }
0xc2: {  	_ =	task.clear_ibuf [dreg:s7], $0x2FFFF;
	_ =	strace $0x9FFFFFFF  }
0xc3: {  	(tm) =	ssettm $0x7FFFFFFF  }
tec
execute0_lowered:
.L_overlay_start_1:
0x0: {  	(tag) =	ssettag $0x1  }
0x1: {  	s6 =	rddreg [dreg:$0x0]  }
0x2: {  	s8 =	rddreg [dreg:$0x1]  }
0x3: {  	s2 =	rddreg [dreg:$0x2]  }
0x4: {  	s0 =	rddreg [dreg:$0x3];
	s4 =	srdreg.scid  }
0x5: {  	s1 =	stileid.u32;
	s3 =	simm.s32 $0x0;
	s17 =	simm.s32 $0x0  }
0x6: {  	s7 =	sand.u32 $0x1, s4;
	s24 =	sshll.u32 s1, $0x1;
	[smem:$0x7FF] =	sst s3  }
0x7: {  	s9 =	sadd.s32 $0xE200, s6;
	s5 =	sadd.s32 $0x18200, s6;
	s11 =	smul.u32 $0x280, s1  }
0x8: {  	s12 =	sadd.s32 $0x18400, s6;
	s13 =	smul.u32 $0x4E20, s1;
	s31 =	sshll.u32 s1, $0x6  }
0x9: {  	s4 =	sor.u32 s7, s24;
	_ =	strace $0x80000047;
	s15 =	smul.u32 $0x2710, s7  }
0xa: {  	s25 =	ssub.s32 $0x2, s7;
	p0 =	seq.s32 s7, $0x1;
	s10 =	smul.u32 $0x2710, s4  }
0xb: {  	s4 =	sadd.s32 $0x18000, s6;
	s14 =	sshrl.u32 s25, $0x1;
	s16 =	sadd.s32 s11, s2  }
0xc: {  	s29 =	sshrl.u32 s11, $0x3;
	s8 =	smov.u32 @p0 s12;
	s11 =	simm.s32 $0x1  }
0xd: {  	s12 =	simm.s32 $0x180;
	s14 =	ssub.s32 s25, s14;
	s28 =	sadd.s32 s15, s13  }
0xe: {  	s8 =	sadd.s32 s8, s29;
	s13 =	sor.u32 $0x1C01, s31;
	s15 =	simm.s32 $0x80  }
0xf: {  	s10 =	sshrl.u32 s10, $0x3;
	s30 =	sshrl.u32 s28, $0x3;
	s7 =	smax.u32 s14, $0x1  }
0x10: {  	s14 =	sshrl.u32 s16, $0x3;
	s16 =	simm.s32 $0x10;
	s26 =	sadd.s32 s9, s10  }
0x11: {  	s9 =	sadd.s32 s30, s9;
	s10 =	simm.s32 $0x100;
	s6 =	sadd.s32 $0x4E0, s26  }
.LBB2_1:
0x12: {  	[tilespmem:s10], [sflag:$0x1] =	stream.linear.gather [hbm4b:s4+s3], $0x80, $0x38;
	[tilespmem:$0x480] =	vst v63  }
0x13: {  	_ =	swait.ge [sflag:s11], $0x80  }
0x14: {  	[sflag:s11] =	ssyncset.done $0x0  }
0x15: {  	[sflag:s11] =	ssyncadd.s32 $0xFFFFFF80  }
0x16: {  	[tilespmem:s12], [sflag:$0x1] =	stream.linear.gather [hbm4b:s4+s3], $0x10, $0x38;
	[tilespmem:$0x480] =	vst v63  }
0x17: {  	_ =	swait.ge [sflag:s11], $0x10  }
0x18: {  	[sflag:s11] =	ssyncset.done $0x0  }
0x19: {  	[sflag:s11] =	ssyncadd.s32 $0xFFFFFFF0  }
0x1a: {  	[spmem:s14], [sflag:s13] =	dma.local [hbm:s5], $0x50  }
0x1b: {  	_ =	swait.ge [sflag:s11], $0x50  }
0x1c: {  	[sflag:s11] =	ssyncset.done $0x0  }
0x1d: {  	[sflag:s11] =	ssyncadd.s32 $0xFFFFFFB0  }
0x1e: {  	s18 =	sadd.s32 $0x0, s9;
	[bflag:$0x0] =	sbarrier.arrive $0xFFFF  }
0x1f: {  	[tilespmem:s3], [sflag:$0x1] =	stream.linear.gather [hbm4b:s18+s3], $0x80, $0x38;
	[tilespmem:$0x480] =	vst v63  }
0x20: {  	_ =	swait.ge [sflag:s11], $0x80  }
0x21: {  	[sflag:s11] =	ssyncset.done $0x0  }
0x22: {  	[sflag:s11] =	ssyncadd.s32 $0xFFFFFF80  }
0x23: {  	[spmem:s2] =	stream.indirect.scatter.add.f32 [tilespmem:s10], [sflag:$0x1], $0x1, s3, s15, $0xb8;
	[tilespmem:$0x480] =	vst v63  }
0x24: {  	_ =	swait.ge [sflag:s11], $0x80  }
0x25: {  	s19 =	simm.s32 $0x20;
	s18 =	simm.s32 $0x10;
	[sflag:s11] =	ssyncset.done $0x0  }
.LBB2_2:
0x26: {  	s20 =	sadd.s32 s18, s9  }
0x27: {  	[sflag:s11] =	ssyncadd.s32 $0xFFFFFF80;
	s18 =	smov.u32 s19;
	s21 =	sadd.s32 $0x10, s19  }
0x28: {  	[tilespmem:s3], [sflag:$0x1] =	stream.linear.gather [hbm4b:s20+s3], $0x80, $0x38;
	[tilespmem:$0x480] =	vst v63  }
0x29: {  	p0 =	sne.s32 s19, $0x4D0;
	_ =	swait.ge [sflag:s11], $0x80  }
.Ltmp0:
0x2a: {  	[sflag:s11] =	ssyncset.done $0x0;
	(pc) =	sbr.rel @p0 .LBB2_2-.Ltmp0, $4  }
0x2b: {  	[sflag:s11] =	ssyncadd.s32 $0xFFFFFF80  }
0x2c: {  	[spmem:s2] =	stream.indirect.scatter.add.f32 [tilespmem:s10], [sflag:$0x1], $0x1, s3, s15, $0xb8;
	[tilespmem:$0x480] =	vst v63  }
0x2d: {  	_ =	swait.ge [sflag:s11], $0x80  }
0x2e: {  	s19 =	smov.u32 s21;
	[sflag:s11] =	ssyncset.done $0x0  }
0x2f: {  	s18 =	sadd.s32 s18, s9;
	[sflag:s11] =	ssyncadd.s32 $0xFFFFFF80  }
0x30: {  	[tilespmem:s3], [sflag:$0x1] =	stream.linear.gather [hbm4b:s18+s3], $0x80, $0x38;
	[tilespmem:$0x480] =	vst v63  }
0x31: {  	_ =	swait.ge [sflag:s11], $0x80  }
0x32: {  	[sflag:s11] =	ssyncset.done $0x0  }
0x33: {  	[sflag:s11] =	ssyncadd.s32 $0xFFFFFF80  }
0x34: {  	[spmem:s2] =	stream.indirect.scatter.add.f32 [tilespmem:s10], [sflag:$0x1], $0x1, s3, s15, $0xb8;
	[tilespmem:$0x480] =	vst v63  }
0x35: {  	_ =	swait.ge [sflag:s11], $0x80  }
0x36: {  	[sflag:s11] =	ssyncset.done $0x0  }
0x37: {  	[sflag:s11] =	ssyncadd.s32 $0xFFFFFF80  }
0x38: {  	[tilespmem:s15], [sflag:$0x1] =	stream.linear.gather [hbm4b:s6+s3], $0x10, $0x38;
	[tilespmem:$0x480] =	vst v63  }
0x39: {  	_ =	swait.ge [sflag:s11], $0x10  }
0x3a: {  	[sflag:s11] =	ssyncset.done $0x0  }
0x3b: {  	[sflag:s11] =	ssyncadd.s32 $0xFFFFFFF0  }
0x3c: {  	[spmem:s2] =	stream.indirect.scatter.add.f32 [tilespmem:s12], [sflag:$0x1], $0x1, s15, s16, $0xb8;
	[tilespmem:$0x480] =	vst v63  }
0x3d: {  	_ =	swait.ge [sflag:s11], $0x10  }
0x3e: {  	s17 =	sadd.s32 $0x1, s17;
	[sflag:s11] =	ssyncset.done $0x0  }
0x3f: {  	p0 =	sne.s32 s17, s7;
	[sflag:s11] =	ssyncadd.s32 $0xFFFFFFF0  }
.Ltmp1:
0x40: {  	[bflag:$0x0] =	sbarrier.arrive $0xFFFF;
	(pc) =	sbr.rel @p0 .LBB2_1-.Ltmp1, $4  }
0x41: {  	[hbm:s8], [sflag:s13] =	dma.local [spmem:s14], $0x50  }
0x42: {  	_ =	swait.ge [sflag:s11], $0x50  }
0x43: {  	[sflag:s11] =	ssyncset.done $0x0  }
0x44: {  	[sflag:s11] =	ssyncadd.s32 $0xFFFFFFB0  }
0x45: {  	_ =	sfence.sel $0x180000  }
0x46: {  	[bflag:$0x0] =	sbarrier.arrive $0xFFFF  }
0x47: {  	p0 =	sne.s32 s1, $0x0;
	_ =	strace $0x90000047  }
0x48: {  	s0 =	sadd.s32 @!p0 $0x100000, s0;
	[bflag:$0x2] =	sbarrier.arrive $0xFFFF  }
0x49: {  	[sflag:s0] =	ssyncadd.tile.s32 @!p0 $0x1;
	_ =	shalt  }
.Lfunc_end2:
_tile_overlayer_lowered:
.L_overlay_start_2:
0x4a: {  	(tag) =	ssettag $0x2  }
0x4b: {  	s0 =	rddreg [dreg:$0x0];
	s2 =	stileid.u32  }
0x4c: {  	s1 =	rddreg [dreg:$0x1];
	p0 =	sne.s32 s2, $0x0  }
0x4d: {  	s3 =	rddreg [dreg:$0x2];
	[bflag:$0x3] =	sbarrier.arrive $0xFFFF;
	s2 =	simm.s32 @!p0 $0x1C01  }
0x4e: {  	[timem:s3], [sflag:s2] =	dma.local @!p0 [hbm:s0], s1  }
0x4f: {  	s0 =	simm.s32 @!p0 $0x1  }
0x50: {  	_ =	swait.ge @!p0 [sflag:s0], s1  }
0x51: {  	s1 =	ssub.s32 @!p0 $0x0, s1;
	[sflag:s0] =	ssyncset.done @!p0 $0x0  }
0x52: {  	[sflag:s0] =	ssyncadd.s32 @!p0 s1  }
0x53: {  	[bflag:$0x3] =	sbarrier.arrive $0xFFFF  }
0x54: {  	_ =	shalt  }

</sc_bundles>
